<compile_context>
chip_gen: v7x
topology: tpu7x:2x2x1
jax: 0.10.2.dev20260603
libtpu: 0.0.44.dev20260713+nightly
codegen_flags: <defaults>
</compile_context>

<pallas_src>
import functools

import jax
import jax.numpy as jnp
from jax import lax
from jax.experimental import pallas as pl
from jax.experimental.pallas import tpu as pltpu
from jax.experimental.pallas import tpu_sc as plsc

NC = 2
NS = 16
C = 128
DH = 64
NB = 2


def _make_sc_agg(N, D, NCHUNK, NP):
    mesh = plsc.VectorSubcoreMesh(core_axis_name="c", subcore_axis_name="s")
    HALF = NCHUNK // 2

    @functools.partial(
        pl.kernel,
        out_type=(
            jax.ShapeDtypeStruct((NC, NP, DH), jnp.float32),
            jax.ShapeDtypeStruct((NC, NP, 16), jnp.float32),
        ),
        mesh=mesh,
        compiler_params=pltpu.CompilerParams(use_tc_tiling_on_sc=False),
        scratch_types=[
            pltpu.VMEM((NCHUNK, C), jnp.int32),
            pltpu.VMEM((NCHUNK, C), jnp.int32),
            [pltpu.VMEM((C, DH), jnp.float32)] * NB,
            pltpu.VMEM((C, DH), jnp.float32),
            pltpu.VMEM((C, 16), jnp.float32),
            pltpu.VMEM((C, 16), jnp.float32),
            pltpu.VMEM_SHARED((NP, DH), jnp.float32),
            pltpu.VMEM_SHARED((NP, 16), jnp.float32),
            [pltpu.SemaphoreType.DMA] * NB,
            pltpu.SemaphoreType.DMA,
        ],
    )
    def sc_agg(xh_hbm, src_hbm, dst_hbm,
               outS_hbm, outC_hbm,
               src_v, dst_v, rows, zero_v, zcnt_v, ones_v, acc_sh, cnt_sh,
               sems, semz):
        c = lax.axis_index("c")
        s = lax.axis_index("s")

        def gather_start(j, b):
            return pltpu.async_copy(xh_hbm.at[c].at[src_v.at[j]], rows[b],
                                    sems[b])

        def gather_wait(j, b):
            pltpu.make_async_copy(xh_hbm.at[c].at[src_v.at[j]], rows[b],
                                  sems[b]).wait()

        pltpu.sync_copy(src_hbm.at[s], src_v)
        pltpu.sync_copy(dst_hbm.at[s], dst_v)
        for b in range(NB):
            gather_start(b, b)

        def fill(i, carry):
            for k in range(DH // 16):
                zero_v[i, pl.ds(k * 16, 16)] = jnp.zeros((16,), jnp.float32)
            zcnt_v[i, pl.ds(0, 16)] = jnp.zeros((16,), jnp.float32)
            ones_v[i, pl.ds(0, 16)] = jnp.ones((16,), jnp.float32)
            return carry

        lax.fori_loop(0, C, fill, 0)

        zr = NP // NS
        z0 = s * zr
        zdescs = []
        nfull, tail = divmod(zr, C)
        for k in range(nfull):
            zdescs.append(pltpu.async_copy(
                zero_v, acc_sh.at[pl.ds(z0 + k * C, C)], semz))
            zdescs.append(pltpu.async_copy(
                zcnt_v, cnt_sh.at[pl.ds(z0 + k * C, C)], semz))
        if tail:
            zdescs.append(pltpu.async_copy(
                zero_v.at[pl.ds(0, tail)],
                acc_sh.at[pl.ds(z0 + nfull * C, tail)], semz))
            zdescs.append(pltpu.async_copy(
                zcnt_v.at[pl.ds(0, tail)],
                cnt_sh.at[pl.ds(z0 + nfull * C, tail)], semz))
        for d in zdescs:
            d.wait()
        plsc.subcore_barrier()

        def ring(i, carry):
            j0 = i * NB
            for b in range(NB):
                j = j0 + b
                gather_wait(j, b)
                pltpu.sync_copy(rows[b], acc_sh.at[dst_v.at[j]], add=True)

                @pl.when(jnp.where(c == 0, j < HALF, j >= HALF))
                def _():
                    pltpu.sync_copy(ones_v, cnt_sh.at[dst_v.at[j]], add=True)

                @pl.when(j + NB < NCHUNK)
                def _():
                    gather_start(j + NB, b)

            return carry

        lax.fori_loop(0, NCHUNK // NB, ring, 0)
        plsc.subcore_barrier()

        rr = NP // NS
        r0 = s * rr
        do0 = pltpu.async_copy(acc_sh.at[pl.ds(r0, rr)],
                               outS_hbm.at[c, pl.ds(r0, rr)], semz)
        do1 = pltpu.async_copy(cnt_sh.at[pl.ds(r0, rr)],
                               outC_hbm.at[c, pl.ds(r0, rr)], semz)
        do0.wait()
        do1.wait()

    return sc_agg


def _dense_res(Sp_ref, Cp_ref, x_ref, W_ref, root_ref, b_ref):
    S = jnp.concatenate([Sp_ref[0], Sp_ref[1]], axis=1)
    cnt = Cp_ref[0, :, 0:1] + Cp_ref[1, :, 0:1]
    mean = S * (1.0 / jnp.maximum(cnt, 1.0))
    return (
        jnp.dot(mean, W_ref[...], preferred_element_type=jnp.float32)
        + jnp.dot(x_ref[...], root_ref[...], preferred_element_type=jnp.float32)
        + b_ref[...]
    )


def _dense_body(Sp_ref, Cp_ref, x_ref, W_ref, root_ref, b_ref, out_ref):
    out_ref[...] = _dense_res(Sp_ref, Cp_ref, x_ref, W_ref, root_ref, b_ref)


def _dense_body2(Sp_ref, Cp_ref, x_ref, W_ref, root_ref, b_ref, out_ref,
                 outh_ref):
    res = _dense_res(Sp_ref, Cp_ref, x_ref, W_ref, root_ref, b_ref)
    out_ref[...] = res
    outh_ref[0] = res[:, :DH]
    outh_ref[1] = res[:, DH:]


def _dense(Sp, Cp, x, W, root, b, with_halves=False):
    N, D = x.shape
    BN = 2000
    grid = (N // BN,)
    in_specs = [
        pl.BlockSpec((NC, BN, DH), lambda i: (0, i, 0)),
        pl.BlockSpec((NC, BN, 16), lambda i: (0, i, 0)),
        pl.BlockSpec((BN, D), lambda i: (i, 0)),
        pl.BlockSpec((D, D), lambda i: (0, 0)),
        pl.BlockSpec((D, D), lambda i: (0, 0)),
        pl.BlockSpec((1, D), lambda i: (0, 0)),
    ]
    if with_halves:
        return pl.pallas_call(
            _dense_body2,
            grid=grid,
            in_specs=in_specs,
            out_specs=(
                pl.BlockSpec((BN, D), lambda i: (i, 0)),
                pl.BlockSpec((NC, BN, DH), lambda i: (0, i, 0)),
            ),
            out_shape=(
                jax.ShapeDtypeStruct((N, D), jnp.float32),
                jax.ShapeDtypeStruct((NC, N, DH), jnp.float32),
            ),
        )(Sp, Cp, x, W, root, b)
    return pl.pallas_call(
        _dense_body,
        grid=grid,
        in_specs=in_specs,
        out_specs=pl.BlockSpec((BN, D), lambda i: (i, 0)),
        out_shape=jax.ShapeDtypeStruct((N, D), jnp.float32),
    )(Sp, Cp, x, W, root, b)


def _prep_edges(edge_index, N, NCHUNK):
    EP = NS * NCHUNK * C
    E = edge_index.shape[1]
    pad = EP - E
    src = jnp.concatenate([edge_index[0], jnp.zeros((pad,), jnp.int32)])
    dst = jnp.concatenate([edge_index[1], jnp.full((pad,), N, jnp.int32)])
    return src.reshape(NS, NCHUNK, C), dst.reshape(NS, NCHUNK, C)


def kernel(x, edge_index_node_rel0_node, edge_index_node_rel1_node,
           W0, root0, b0, W1, root1, b1):
    N, D = x.shape
    E = edge_index_node_rel0_node.shape[1]
    NCHUNK = -(-(-(-E // (NS * C))) // NB) * NB
    NP = -(-(N + 1) // 128) * 128

    sc_agg = _make_sc_agg(N, D, NCHUNK, NP)
    src0, dst0 = _prep_edges(edge_index_node_rel0_node, N, NCHUNK)
    src1, dst1 = _prep_edges(edge_index_node_rel1_node, N, NCHUNK)

    xh = jnp.stack([x[:, :DH], x[:, DH:]])
    S0, C0 = sc_agg(xh, src0, dst0)
    x1, x1h = _dense(S0, C0, x, W0[0], root0, b0.reshape(1, D),
                     with_halves=True)
    S1, C1 = sc_agg(x1h, src1, dst1)
    return _dense(S1, C1, x1, W1[0], root1, b1.reshape(1, D))

# --- scband reference (transcript-rebuilt; emitter-appended) ---
"""Pipeline reference for scband-hetero-gnn-16904991277356 (READ-ONLY COPY).

The authoritative reference and input builder live on the scoring server;
editing this copy changes nothing except your own understanding.
"""

import jax, jax.numpy as jnp
import numpy as np

N = 10000
D = 128
E = 320000
R = 2  # num_relations = len(metadata[1])


def setup_inputs(seed: int = 0) -> dict:
    key = jax.random.key(seed)
    ks = jax.random.split(key, 10)
    x = jax.random.normal(ks[0], (N, D), dtype=jnp.float32)
    edge_index_0 = jax.random.randint(ks[1], (2, E), 0, N, dtype=jnp.int32)
    edge_index_1 = jax.random.randint(ks[2], (2, E), 0, N, dtype=jnp.int32)
    # RGCNConv parameters per edge-type conv: relation weights [R, D, D], root weight [D, D], bias [D]
    W0 = jax.random.normal(ks[3], (R, D, D), dtype=jnp.float32) * 0.05
    root0 = jax.random.normal(ks[4], (D, D), dtype=jnp.float32) * 0.05
    b0 = jnp.zeros((D,), dtype=jnp.float32)
    W1 = jax.random.normal(ks[5], (R, D, D), dtype=jnp.float32) * 0.05
    root1 = jax.random.normal(ks[6], (D, D), dtype=jnp.float32) * 0.05
    b1 = jnp.zeros((D,), dtype=jnp.float32)
    return {"x": x, "edge_index_node_rel0_node": edge_index_0, "edge_index_node_rel1_node": edge_index_1,
            "W0": W0, "root0": root0, "b0": b0, "W1": W1, "root1": root1, "b1": b1}


def _rgcn_conv(x, edge_index, W, root, b):
    # forward is called as conv(x, edge_index) without edge_type -> all edges use relation 0
    src = edge_index[0]
    dst = edge_index[1]
    msg = jnp.take(x, src, axis=0) @ W[0]
    agg = jax.ops.segment_sum(msg, dst, num_segments=N)
    cnt = jax.ops.segment_sum(jnp.ones((edge_index.shape[1],), dtype=x.dtype), dst, num_segments=N)
    agg = agg / jnp.maximum(cnt, 1.0)[:, None]  # aggr='mean' (RGCNConv default)
    return agg + x @ root + b


def reference(x, edge_index_node_rel0_node, edge_index_node_rel1_node, W0, root0, b0, W1, root1, b1):
    # HeteroGNN.forward: sequentially apply each edge-type conv, overwriting x
    x = _rgcn_conv(x, edge_index_node_rel0_node, W0, root0, b0)
    x = _rgcn_conv(x, edge_index_node_rel1_node, W1, root1, b1)
    return x

if __name__ == "__main__":
    import jax
    _d = setup_inputs()
    print(jax.jit(kernel)(*tuple(_d.values())))

</pallas_src>

<mosaic_0001>
#map = affine_map<(d0, d1) -> (0, 0, 0)>
module attributes {stable_mosaic.version = 14 : i64} {
  func.func @sc_agg(%arg0: i32, %arg1: i32, %arg2: memref<2x10000x64xf32, #tpu.memory_space<hbm>>, %arg3: memref<16x158x128xi32, #tpu.memory_space<hbm>>, %arg4: memref<16x158x128xi32, #tpu.memory_space<hbm>>, %arg5: memref<2x10112x64xf32, #tpu.memory_space<hbm>>, %arg6: memref<2x10112x16xf32, #tpu.memory_space<hbm>>, %arg7: memref<158x128xi32, #tpu.memory_space<vmem>>, %arg8: memref<158x128xi32, #tpu.memory_space<vmem>>, %arg9: memref<128x64xf32, #tpu.memory_space<vmem>>, %arg10: memref<128x64xf32, #tpu.memory_space<vmem>>, %arg11: memref<128x64xf32, #tpu.memory_space<vmem>>, %arg12: memref<128x16xf32, #tpu.memory_space<vmem>>, %arg13: memref<128x16xf32, #tpu.memory_space<vmem>>, %arg14: memref<10112x64xf32, #tpu.memory_space<vmem_shared>>, %arg15: memref<10112x16xf32, #tpu.memory_space<vmem_shared>>, %arg16: memref<!tpu.dma_semaphore, #tpu.memory_space<semaphore_mem>>, %arg17: memref<!tpu.dma_semaphore, #tpu.memory_space<semaphore_mem>>, %arg18: memref<!tpu.dma_semaphore, #tpu.memory_space<semaphore_mem>>) attributes {dimension_semantics = [#tpu.dimension_semantics<core_parallel>, #tpu.dimension_semantics<subcore_parallel>], iteration_bounds = array<i64: 2, 16>, scalar_prefetch = 0 : i64, scratch_operands = 12 : i64, tpu.core_type = #tpu.core_type<sc_vector_subcore>, window_params = [{transform_indices = #map}, {transform_indices = #map}, {transform_indices = #map}, {transform_indices = #map}, {transform_indices = #map}]} {
    "tpu.region"() ({
      %run_scoped3A = tpu.sem_alloc : memref<!tpu.dma_semaphore, #tpu.memory_space<semaphore_mem>>
      %dma_start3A_178 = arith.constant 0 : i32
      %dma_start3A_179 = arith.constant 0 : i32
      %dma_start3A_180 = tpu.memref_slice %arg3[%arg1, %dma_start3A_178, %dma_start3A_179] : memref<16x158x128xi32, #tpu.memory_space<hbm>> -> memref<1x158x128xi32, #tpu.memory_space<hbm>>
      %dma_start3A_181 = tpu.memref_squeeze %dma_start3A_180 : memref<1x158x128xi32, #tpu.memory_space<hbm>> -> memref<158x128xi32, #tpu.memory_space<hbm>>
      %dma_start3A_182 = arith.constant 0 : i32
      %dma_start3A_183 = arith.constant 0 : i32
      %dma_start3A_184 = tpu.memref_slice %arg3[%arg1, %dma_start3A_182, %dma_start3A_183] : memref<16x158x128xi32, #tpu.memory_space<hbm>> -> memref<1x158x128xi32, #tpu.memory_space<hbm>>
      %dma_start3A_185 = tpu.memref_squeeze %dma_start3A_184 : memref<1x158x128xi32, #tpu.memory_space<hbm>> -> memref<158x128xi32, #tpu.memory_space<hbm>>
      tpu.enqueue_dma source(%dma_start3A_185 : memref<158x128xi32, #tpu.memory_space<hbm>>) target(%arg7 : memref<158x128xi32, #tpu.memory_space<vmem>>) target_semaphore(%run_scoped3A : memref<!tpu.dma_semaphore, #tpu.memory_space<semaphore_mem>>)
      %dma_wait3A_186 = arith.constant 0 : i32
      %dma_wait3A_187 = arith.constant 0 : i32
      %dma_wait3A_188 = tpu.memref_slice %arg3[%arg1, %dma_wait3A_186, %dma_wait3A_187] : memref<16x158x128xi32, #tpu.memory_space<hbm>> -> memref<1x158x128xi32, #tpu.memory_space<hbm>>
      %dma_wait3A_189 = tpu.memref_squeeze %dma_wait3A_188 : memref<1x158x128xi32, #tpu.memory_space<hbm>> -> memref<158x128xi32, #tpu.memory_space<hbm>>
      %dma_wait3A_190 = arith.constant 0 : i32
      %dma_wait3A_191 = arith.constant 0 : i32
      %dma_wait3A_192 = tpu.memref_slice %arg3[%arg1, %dma_wait3A_190, %dma_wait3A_191] : memref<16x158x128xi32, #tpu.memory_space<hbm>> -> memref<1x158x128xi32, #tpu.memory_space<hbm>>
      %dma_wait3A_193 = tpu.memref_squeeze %dma_wait3A_192 : memref<1x158x128xi32, #tpu.memory_space<hbm>> -> memref<158x128xi32, #tpu.memory_space<hbm>>
      tpu.wait_dma2 semaphore(%run_scoped3A : memref<!tpu.dma_semaphore, #tpu.memory_space<semaphore_mem>>) src(%dma_wait3A_193 : memref<158x128xi32, #tpu.memory_space<hbm>>) dst(%arg7 : memref<158x128xi32, #tpu.memory_space<vmem>>)
      tpu.yield
    }) : () -> ()
    "tpu.region"() ({
      %run_scoped3A = tpu.sem_alloc : memref<!tpu.dma_semaphore, #tpu.memory_space<semaphore_mem>>
      %dma_start3A_178 = arith.constant 0 : i32
      %dma_start3A_179 = arith.constant 0 : i32
      %dma_start3A_180 = tpu.memref_slice %arg4[%arg1, %dma_start3A_178, %dma_start3A_179] : memref<16x158x128xi32, #tpu.memory_space<hbm>> -> memref<1x158x128xi32, #tpu.memory_space<hbm>>
      %dma_start3A_181 = tpu.memref_squeeze %dma_start3A_180 : memref<1x158x128xi32, #tpu.memory_space<hbm>> -> memref<158x128xi32, #tpu.memory_space<hbm>>
      %dma_start3A_182 = arith.constant 0 : i32
      %dma_start3A_183 = arith.constant 0 : i32
      %dma_start3A_184 = tpu.memref_slice %arg4[%arg1, %dma_start3A_182, %dma_start3A_183] : memref<16x158x128xi32, #tpu.memory_space<hbm>> -> memref<1x158x128xi32, #tpu.memory_space<hbm>>
      %dma_start3A_185 = tpu.memref_squeeze %dma_start3A_184 : memref<1x158x128xi32, #tpu.memory_space<hbm>> -> memref<158x128xi32, #tpu.memory_space<hbm>>
      tpu.enqueue_dma source(%dma_start3A_185 : memref<158x128xi32, #tpu.memory_space<hbm>>) target(%arg8 : memref<158x128xi32, #tpu.memory_space<vmem>>) target_semaphore(%run_scoped3A : memref<!tpu.dma_semaphore, #tpu.memory_space<semaphore_mem>>)
      %dma_wait3A_186 = arith.constant 0 : i32
      %dma_wait3A_187 = arith.constant 0 : i32
      %dma_wait3A_188 = tpu.memref_slice %arg4[%arg1, %dma_wait3A_186, %dma_wait3A_187] : memref<16x158x128xi32, #tpu.memory_space<hbm>> -> memref<1x158x128xi32, #tpu.memory_space<hbm>>
      %dma_wait3A_189 = tpu.memref_squeeze %dma_wait3A_188 : memref<1x158x128xi32, #tpu.memory_space<hbm>> -> memref<158x128xi32, #tpu.memory_space<hbm>>
      %dma_wait3A_190 = arith.constant 0 : i32
      %dma_wait3A_191 = arith.constant 0 : i32
      %dma_wait3A_192 = tpu.memref_slice %arg4[%arg1, %dma_wait3A_190, %dma_wait3A_191] : memref<16x158x128xi32, #tpu.memory_space<hbm>> -> memref<1x158x128xi32, #tpu.memory_space<hbm>>
      %dma_wait3A_193 = tpu.memref_squeeze %dma_wait3A_192 : memref<1x158x128xi32, #tpu.memory_space<hbm>> -> memref<158x128xi32, #tpu.memory_space<hbm>>
      tpu.wait_dma2 semaphore(%run_scoped3A : memref<!tpu.dma_semaphore, #tpu.memory_space<semaphore_mem>>) src(%dma_wait3A_193 : memref<158x128xi32, #tpu.memory_space<hbm>>) dst(%arg8 : memref<158x128xi32, #tpu.memory_space<vmem>>)
      tpu.yield
    }) : () -> ()
    %dma_start3A = arith.constant 0 : i32
    %dma_start3A_0 = arith.constant 0 : i32
    %dma_start3A_1 = tpu.memref_slice %arg7[%dma_start3A, %dma_start3A_0] : memref<158x128xi32, #tpu.memory_space<vmem>> -> memref<1x128xi32, #tpu.memory_space<vmem>>
    %dma_start3A_2 = tpu.memref_squeeze %dma_start3A_1 : memref<1x128xi32, #tpu.memory_space<vmem>> -> memref<128xi32, #tpu.memory_space<vmem>>
    %dma_start3A_3 = arith.constant 0 : i32
    %dma_start3A_4 = arith.constant 0 : i32
    %dma_start3A_5 = tpu.memref_slice %arg2[%arg0, %dma_start3A_3, %dma_start3A_4] : memref<2x10000x64xf32, #tpu.memory_space<hbm>> -> memref<1x10000x64xf32, #tpu.memory_space<hbm>>
    %dma_start3A_6 = tpu.memref_squeeze %dma_start3A_5 : memref<1x10000x64xf32, #tpu.memory_space<hbm>> -> memref<10000x64xf32, #tpu.memory_space<hbm>>
    %dma_start3A_7 = arith.constant 0 : i32
    %dma_start3A_8 = arith.constant 0 : i32
    %dma_start3A_9 = tpu.memref_slice %dma_start3A_6[%dma_start3A_7, %dma_start3A_8] : memref<10000x64xf32, #tpu.memory_space<hbm>> -> memref<10000x64xf32, #tpu.memory_space<hbm>>
    tpu.enqueue_indirect_dma source(%dma_start3A_9 : memref<10000x64xf32, #tpu.memory_space<hbm>>) target(%arg9 : memref<128x64xf32, #tpu.memory_space<vmem>>) offsets(%dma_start3A_2 : memref<128xi32, #tpu.memory_space<vmem>>) semaphore(%arg16 : memref<!tpu.dma_semaphore, #tpu.memory_space<semaphore_mem>>)
    %dma_start3A_10 = arith.constant 1 : i32
    %dma_start3A_11 = arith.constant 0 : i32
    %dma_start3A_12 = tpu.memref_slice %arg7[%dma_start3A_10, %dma_start3A_11] : memref<158x128xi32, #tpu.memory_space<vmem>> -> memref<1x128xi32, #tpu.memory_space<vmem>>
    %dma_start3A_13 = tpu.memref_squeeze %dma_start3A_12 : memref<1x128xi32, #tpu.memory_space<vmem>> -> memref<128xi32, #tpu.memory_space<vmem>>
    %dma_start3A_14 = arith.constant 0 : i32
    %dma_start3A_15 = arith.constant 0 : i32
    %dma_start3A_16 = tpu.memref_slice %arg2[%arg0, %dma_start3A_14, %dma_start3A_15] : memref<2x10000x64xf32, #tpu.memory_space<hbm>> -> memref<1x10000x64xf32, #tpu.memory_space<hbm>>
    %dma_start3A_17 = tpu.memref_squeeze %dma_start3A_16 : memref<1x10000x64xf32, #tpu.memory_space<hbm>> -> memref<10000x64xf32, #tpu.memory_space<hbm>>
    %dma_start3A_18 = arith.constant 0 : i32
    %dma_start3A_19 = arith.constant 0 : i32
    %dma_start3A_20 = tpu.memref_slice %dma_start3A_17[%dma_start3A_18, %dma_start3A_19] : memref<10000x64xf32, #tpu.memory_space<hbm>> -> memref<10000x64xf32, #tpu.memory_space<hbm>>
    tpu.enqueue_indirect_dma source(%dma_start3A_20 : memref<10000x64xf32, #tpu.memory_space<hbm>>) target(%arg10 : memref<128x64xf32, #tpu.memory_space<vmem>>) offsets(%dma_start3A_13 : memref<128xi32, #tpu.memory_space<vmem>>) semaphore(%arg17 : memref<!tpu.dma_semaphore, #tpu.memory_space<semaphore_mem>>)
    %scan3A = arith.constant 0 : i32
    %scan3A_21 = arith.constant 0 : i32
    %scan3A_22 = arith.constant 128 : i32
    %scan3A_23 = arith.addi %scan3A_21, %scan3A_22 : i32
    %scan3A_24 = arith.constant 1 : i32
    scf.for %scan3A_178 = %scan3A_21 to %scan3A_23 step %scan3A_24  : i32 {
      %broadcast_in_dim3A = arith.constant 0.000000e+00 : f32
      %broadcast_in_dim3A_179 = vector.broadcast %broadcast_in_dim3A : f32 to vector<16xf32>
      %swap3A = arith.index_cast %scan3A_178 : i32 to index
      %swap3A_180 = arith.constant 0 : index
      %swap3A_181 = tpu.vector_load %arg11[%swap3A, %swap3A_180] {strides = array<i32>} : memref<128x64xf32, #tpu.memory_space<vmem>>, vector<1x16xf32>,
      %swap3A_182 = vector.shape_cast %swap3A_181 : vector<1x16xf32> to vector<16xf32>
      %swap3A_183 = vector.shape_cast %broadcast_in_dim3A_179 : vector<16xf32> to vector<1x16xf32>
      tpu.vector_store %arg11[%swap3A, %swap3A_180], %swap3A_183 {strides = array<i32>} : memref<128x64xf32, #tpu.memory_space<vmem>>, vector<1x16xf32>,
      %broadcast_in_dim3A_184 = arith.constant 0.000000e+00 : f32
      %broadcast_in_dim3A_185 = vector.broadcast %broadcast_in_dim3A_184 : f32 to vector<16xf32>
      %swap3A_186 = arith.index_cast %scan3A_178 : i32 to index
      %swap3A_187 = arith.constant 16 : index
      %swap3A_188 = tpu.vector_load %arg11[%swap3A_186, %swap3A_187] {strides = array<i32>} : memref<128x64xf32, #tpu.memory_space<vmem>>, vector<1x16xf32>,
      %swap3A_189 = vector.shape_cast %swap3A_188 : vector<1x16xf32> to vector<16xf32>
      %swap3A_190 = vector.shape_cast %broadcast_in_dim3A_185 : vector<16xf32> to vector<1x16xf32>
      tpu.vector_store %arg11[%swap3A_186, %swap3A_187], %swap3A_190 {strides = array<i32>} : memref<128x64xf32, #tpu.memory_space<vmem>>, vector<1x16xf32>,
      %broadcast_in_dim3A_191 = arith.constant 0.000000e+00 : f32
      %broadcast_in_dim3A_192 = vector.broadcast %broadcast_in_dim3A_191 : f32 to vector<16xf32>
      %swap3A_193 = arith.index_cast %scan3A_178 : i32 to index
      %swap3A_194 = arith.constant 32 : index
      %swap3A_195 = tpu.vector_load %arg11[%swap3A_193, %swap3A_194] {strides = array<i32>} : memref<128x64xf32, #tpu.memory_space<vmem>>, vector<1x16xf32>,
      %swap3A_196 = vector.shape_cast %swap3A_195 : vector<1x16xf32> to vector<16xf32>
      %swap3A_197 = vector.shape_cast %broadcast_in_dim3A_192 : vector<16xf32> to vector<1x16xf32>
      tpu.vector_store %arg11[%swap3A_193, %swap3A_194], %swap3A_197 {strides = array<i32>} : memref<128x64xf32, #tpu.memory_space<vmem>>, vector<1x16xf32>,
      %broadcast_in_dim3A_198 = arith.constant 0.000000e+00 : f32
      %broadcast_in_dim3A_199 = vector.broadcast %broadcast_in_dim3A_198 : f32 to vector<16xf32>
      %swap3A_200 = arith.index_cast %scan3A_178 : i32 to index
      %swap3A_201 = arith.constant 48 : index
      %swap3A_202 = tpu.vector_load %arg11[%swap3A_200, %swap3A_201] {strides = array<i32>} : memref<128x64xf32, #tpu.memory_space<vmem>>, vector<1x16xf32>,
      %swap3A_203 = vector.shape_cast %swap3A_202 : vector<1x16xf32> to vector<16xf32>
      %swap3A_204 = vector.shape_cast %broadcast_in_dim3A_199 : vector<16xf32> to vector<1x16xf32>
      tpu.vector_store %arg11[%swap3A_200, %swap3A_201], %swap3A_204 {strides = array<i32>} : memref<128x64xf32, #tpu.memory_space<vmem>>, vector<1x16xf32>,
      %broadcast_in_dim3A_205 = arith.constant 0.000000e+00 : f32
      %broadcast_in_dim3A_206 = vector.broadcast %broadcast_in_dim3A_205 : f32 to vector<16xf32>
      %swap3A_207 = arith.index_cast %scan3A_178 : i32 to index
      %swap3A_208 = arith.constant 0 : index
      %swap3A_209 = tpu.vector_load %arg12[%swap3A_207, %swap3A_208] {strides = array<i32>} : memref<128x16xf32, #tpu.memory_space<vmem>>, vector<1x16xf32>,
      %swap3A_210 = vector.shape_cast %swap3A_209 : vector<1x16xf32> to vector<16xf32>
      %swap3A_211 = vector.shape_cast %broadcast_in_dim3A_206 : vector<16xf32> to vector<1x16xf32>
      tpu.vector_store %arg12[%swap3A_207, %swap3A_208], %swap3A_211 {strides = array<i32>} : memref<128x16xf32, #tpu.memory_space<vmem>>, vector<1x16xf32>,
      %broadcast_in_dim3A_212 = arith.constant 1.000000e+00 : f32
      %broadcast_in_dim3A_213 = vector.broadcast %broadcast_in_dim3A_212 : f32 to vector<16xf32>
      %swap3A_214 = arith.index_cast %scan3A_178 : i32 to index
      %swap3A_215 = arith.constant 0 : index
      %swap3A_216 = tpu.vector_load %arg13[%swap3A_214, %swap3A_215] {strides = array<i32>} : memref<128x16xf32, #tpu.memory_space<vmem>>, vector<1x16xf32>,
      %swap3A_217 = vector.shape_cast %swap3A_216 : vector<1x16xf32> to vector<16xf32>
      %swap3A_218 = vector.shape_cast %broadcast_in_dim3A_213 : vector<16xf32> to vector<1x16xf32>
      tpu.vector_store %arg13[%swap3A_214, %swap3A_215], %swap3A_218 {strides = array<i32>} : memref<128x16xf32, #tpu.memory_space<vmem>>, vector<1x16xf32>,
    }
    %scan3A_25 = arith.constant 128 : i32
    %mul3A = arith.constant 632 : i32
    %mul3A_26 = arith.muli %arg1, %mul3A : i32
    %add3A = arith.constant 0 : i32
    %add3A_27 = arith.addi %mul3A_26, %add3A : i32
    %dma_start3A_28 = arith.constant 0 : i32
    %dma_start3A_29 = tpu.memref_slice %arg14[%add3A_27, %dma_start3A_28] : memref<10112x64xf32, #tpu.memory_space<vmem_shared>> -> memref<128x64xf32, #tpu.memory_space<vmem_shared>>
    %dma_start3A_30 = arith.constant 0 : i32
    %dma_start3A_31 = tpu.memref_slice %arg14[%add3A_27, %dma_start3A_30] : memref<10112x64xf32, #tpu.memory_space<vmem_shared>> -> memref<128x64xf32, #tpu.memory_space<vmem_shared>>
    tpu.enqueue_dma source(%arg11 : memref<128x64xf32, #tpu.memory_space<vmem>>) target(%dma_start3A_31 : memref<128x64xf32, #tpu.memory_space<vmem_shared>>) target_semaphore(%arg18 : memref<!tpu.dma_semaphore, #tpu.memory_space<semaphore_mem>>)
    %add3A_32 = arith.constant 0 : i32
    %add3A_33 = arith.addi %mul3A_26, %add3A_32 : i32
    %dma_start3A_34 = arith.constant 0 : i32
    %dma_start3A_35 = tpu.memref_slice %arg15[%add3A_33, %dma_start3A_34] : memref<10112x16xf32, #tpu.memory_space<vmem_shared>> -> memref<128x16xf32, #tpu.memory_space<vmem_shared>>
    %dma_start3A_36 = arith.constant 0 : i32
    %dma_start3A_37 = tpu.memref_slice %arg15[%add3A_33, %dma_start3A_36] : memref<10112x16xf32, #tpu.memory_space<vmem_shared>> -> memref<128x16xf32, #tpu.memory_space<vmem_shared>>
    tpu.enqueue_dma source(%arg12 : memref<128x16xf32, #tpu.memory_space<vmem>>) target(%dma_start3A_37 : memref<128x16xf32, #tpu.memory_space<vmem_shared>>) target_semaphore(%arg18 : memref<!tpu.dma_semaphore, #tpu.memory_space<semaphore_mem>>)
    %add3A_38 = arith.constant 128 : i32
    %add3A_39 = arith.addi %mul3A_26, %add3A_38 : i32
    %dma_start3A_40 = arith.constant 0 : i32
    %dma_start3A_41 = tpu.memref_slice %arg14[%add3A_39, %dma_start3A_40] : memref<10112x64xf32, #tpu.memory_space<vmem_shared>> -> memref<128x64xf32, #tpu.memory_space<vmem_shared>>
    %dma_start3A_42 = arith.constant 0 : i32
    %dma_start3A_43 = tpu.memref_slice %arg14[%add3A_39, %dma_start3A_42] : memref<10112x64xf32, #tpu.memory_space<vmem_shared>> -> memref<128x64xf32, #tpu.memory_space<vmem_shared>>
    tpu.enqueue_dma source(%arg11 : memref<128x64xf32, #tpu.memory_space<vmem>>) target(%dma_start3A_43 : memref<128x64xf32, #tpu.memory_space<vmem_shared>>) target_semaphore(%arg18 : memref<!tpu.dma_semaphore, #tpu.memory_space<semaphore_mem>>)
    %add3A_44 = arith.constant 128 : i32
    %add3A_45 = arith.addi %mul3A_26, %add3A_44 : i32
    %dma_start3A_46 = arith.constant 0 : i32
    %dma_start3A_47 = tpu.memref_slice %arg15[%add3A_45, %dma_start3A_46] : memref<10112x16xf32, #tpu.memory_space<vmem_shared>> -> memref<128x16xf32, #tpu.memory_space<vmem_shared>>
    %dma_start3A_48 = arith.constant 0 : i32
    %dma_start3A_49 = tpu.memref_slice %arg15[%add3A_45, %dma_start3A_48] : memref<10112x16xf32, #tpu.memory_space<vmem_shared>> -> memref<128x16xf32, #tpu.memory_space<vmem_shared>>
    tpu.enqueue_dma source(%arg12 : memref<128x16xf32, #tpu.memory_space<vmem>>) target(%dma_start3A_49 : memref<128x16xf32, #tpu.memory_space<vmem_shared>>) target_semaphore(%arg18 : memref<!tpu.dma_semaphore, #tpu.memory_space<semaphore_mem>>)
    %add3A_50 = arith.constant 256 : i32
    %add3A_51 = arith.addi %mul3A_26, %add3A_50 : i32
    %dma_start3A_52 = arith.constant 0 : i32
    %dma_start3A_53 = tpu.memref_slice %arg14[%add3A_51, %dma_start3A_52] : memref<10112x64xf32, #tpu.memory_space<vmem_shared>> -> memref<128x64xf32, #tpu.memory_space<vmem_shared>>
    %dma_start3A_54 = arith.constant 0 : i32
    %dma_start3A_55 = tpu.memref_slice %arg14[%add3A_51, %dma_start3A_54] : memref<10112x64xf32, #tpu.memory_space<vmem_shared>> -> memref<128x64xf32, #tpu.memory_space<vmem_shared>>
    tpu.enqueue_dma source(%arg11 : memref<128x64xf32, #tpu.memory_space<vmem>>) target(%dma_start3A_55 : memref<128x64xf32, #tpu.memory_space<vmem_shared>>) target_semaphore(%arg18 : memref<!tpu.dma_semaphore, #tpu.memory_space<semaphore_mem>>)
    %add3A_56 = arith.constant 256 : i32
    %add3A_57 = arith.addi %mul3A_26, %add3A_56 : i32
    %dma_start3A_58 = arith.constant 0 : i32
    %dma_start3A_59 = tpu.memref_slice %arg15[%add3A_57, %dma_start3A_58] : memref<10112x16xf32, #tpu.memory_space<vmem_shared>> -> memref<128x16xf32, #tpu.memory_space<vmem_shared>>
    %dma_start3A_60 = arith.constant 0 : i32
    %dma_start3A_61 = tpu.memref_slice %arg15[%add3A_57, %dma_start3A_60] : memref<10112x16xf32, #tpu.memory_space<vmem_shared>> -> memref<128x16xf32, #tpu.memory_space<vmem_shared>>
    tpu.enqueue_dma source(%arg12 : memref<128x16xf32, #tpu.memory_space<vmem>>) target(%dma_start3A_61 : memref<128x16xf32, #tpu.memory_space<vmem_shared>>) target_semaphore(%arg18 : memref<!tpu.dma_semaphore, #tpu.memory_space<semaphore_mem>>)
    %add3A_62 = arith.constant 384 : i32
    %add3A_63 = arith.addi %mul3A_26, %add3A_62 : i32
    %dma_start3A_64 = arith.constant 0 : i32
    %dma_start3A_65 = tpu.memref_slice %arg14[%add3A_63, %dma_start3A_64] : memref<10112x64xf32, #tpu.memory_space<vmem_shared>> -> memref<128x64xf32, #tpu.memory_space<vmem_shared>>
    %dma_start3A_66 = arith.constant 0 : i32
    %dma_start3A_67 = tpu.memref_slice %arg14[%add3A_63, %dma_start3A_66] : memref<10112x64xf32, #tpu.memory_space<vmem_shared>> -> memref<128x64xf32, #tpu.memory_space<vmem_shared>>
    tpu.enqueue_dma source(%arg11 : memref<128x64xf32, #tpu.memory_space<vmem>>) target(%dma_start3A_67 : memref<128x64xf32, #tpu.memory_space<vmem_shared>>) target_semaphore(%arg18 : memref<!tpu.dma_semaphore, #tpu.memory_space<semaphore_mem>>)
    %add3A_68 = arith.constant 384 : i32
    %add3A_69 = arith.addi %mul3A_26, %add3A_68 : i32
    %dma_start3A_70 = arith.constant 0 : i32
    %dma_start3A_71 = tpu.memref_slice %arg15[%add3A_69, %dma_start3A_70] : memref<10112x16xf32, #tpu.memory_space<vmem_shared>> -> memref<128x16xf32, #tpu.memory_space<vmem_shared>>
    %dma_start3A_72 = arith.constant 0 : i32
    %dma_start3A_73 = tpu.memref_slice %arg15[%add3A_69, %dma_start3A_72] : memref<10112x16xf32, #tpu.memory_space<vmem_shared>> -> memref<128x16xf32, #tpu.memory_space<vmem_shared>>
    tpu.enqueue_dma source(%arg12 : memref<128x16xf32, #tpu.memory_space<vmem>>) target(%dma_start3A_73 : memref<128x16xf32, #tpu.memory_space<vmem_shared>>) target_semaphore(%arg18 : memref<!tpu.dma_semaphore, #tpu.memory_space<semaphore_mem>>)
    %add3A_74 = arith.constant 512 : i32
    %add3A_75 = arith.addi %mul3A_26, %add3A_74 : i32
    %dma_start3A_76 = arith.constant 0 : i32
    %dma_start3A_77 = arith.constant 0 : i32
    %dma_start3A_78 = tpu.memref_slice %arg11[%dma_start3A_76, %dma_start3A_77] : memref<128x64xf32, #tpu.memory_space<vmem>> -> memref<120x64xf32, #tpu.memory_space<vmem>>
    %dma_start3A_79 = arith.constant 0 : i32
    %dma_start3A_80 = tpu.memref_slice %arg14[%add3A_75, %dma_start3A_79] : memref<10112x64xf32, #tpu.memory_space<vmem_shared>> -> memref<120x64xf32, #tpu.memory_space<vmem_shared>>
    %dma_start3A_81 = arith.constant 0 : i32
    %dma_start3A_82 = tpu.memref_slice %arg14[%add3A_75, %dma_start3A_81] : memref<10112x64xf32, #tpu.memory_space<vmem_shared>> -> memref<120x64xf32, #tpu.memory_space<vmem_shared>>
    %dma_start3A_83 = arith.constant 0 : i32
    %dma_start3A_84 = arith.constant 0 : i32
    %dma_start3A_85 = tpu.memref_slice %arg11[%dma_start3A_83, %dma_start3A_84] : memref<128x64xf32, #tpu.memory_space<vmem>> -> memref<120x64xf32, #tpu.memory_space<vmem>>
    tpu.enqueue_dma source(%dma_start3A_85 : memref<120x64xf32, #tpu.memory_space<vmem>>) target(%dma_start3A_82 : memref<120x64xf32, #tpu.memory_space<vmem_shared>>) target_semaphore(%arg18 : memref<!tpu.dma_semaphore, #tpu.memory_space<semaphore_mem>>)
    %add3A_86 = arith.constant 512 : i32
    %add3A_87 = arith.addi %mul3A_26, %add3A_86 : i32
    %dma_start3A_88 = arith.constant 0 : i32
    %dma_start3A_89 = arith.constant 0 : i32
    %dma_start3A_90 = tpu.memref_slice %arg12[%dma_start3A_88, %dma_start3A_89] : memref<128x16xf32, #tpu.memory_space<vmem>> -> memref<120x16xf32, #tpu.memory_space<vmem>>
    %dma_start3A_91 = arith.constant 0 : i32
    %dma_start3A_92 = tpu.memref_slice %arg15[%add3A_87, %dma_start3A_91] : memref<10112x16xf32, #tpu.memory_space<vmem_shared>> -> memref<120x16xf32, #tpu.memory_space<vmem_shared>>
    %dma_start3A_93 = arith.constant 0 : i32
    %dma_start3A_94 = tpu.memref_slice %arg15[%add3A_87, %dma_start3A_93] : memref<10112x16xf32, #tpu.memory_space<vmem_shared>> -> memref<120x16xf32, #tpu.memory_space<vmem_shared>>
    %dma_start3A_95 = arith.constant 0 : i32
    %dma_start3A_96 = arith.constant 0 : i32
    %dma_start3A_97 = tpu.memref_slice %arg12[%dma_start3A_95, %dma_start3A_96] : memref<128x16xf32, #tpu.memory_space<vmem>> -> memref<120x16xf32, #tpu.memory_space<vmem>>
    tpu.enqueue_dma source(%dma_start3A_97 : memref<120x16xf32, #tpu.memory_space<vmem>>) target(%dma_start3A_94 : memref<120x16xf32, #tpu.memory_space<vmem_shared>>) target_semaphore(%arg18 : memref<!tpu.dma_semaphore, #tpu.memory_space<semaphore_mem>>)
    %dma_wait3A = arith.constant 0 : i32
    %dma_wait3A_98 = tpu.memref_slice %arg14[%add3A_27, %dma_wait3A] : memref<10112x64xf32, #tpu.memory_space<vmem_shared>> -> memref<128x64xf32, #tpu.memory_space<vmem_shared>>
    %dma_wait3A_99 = arith.constant 0 : i32
    %dma_wait3A_100 = tpu.memref_slice %arg14[%add3A_27, %dma_wait3A_99] : memref<10112x64xf32, #tpu.memory_space<vmem_shared>> -> memref<128x64xf32, #tpu.memory_space<vmem_shared>>
    tpu.wait_dma2 semaphore(%arg18 : memref<!tpu.dma_semaphore, #tpu.memory_space<semaphore_mem>>) src(%arg11 : memref<128x64xf32, #tpu.memory_space<vmem>>) dst(%dma_wait3A_100 : memref<128x64xf32, #tpu.memory_space<vmem_shared>>)
    %dma_wait3A_101 = arith.constant 0 : i32
    %dma_wait3A_102 = tpu.memref_slice %arg15[%add3A_33, %dma_wait3A_101] : memref<10112x16xf32, #tpu.memory_space<vmem_shared>> -> memref<128x16xf32, #tpu.memory_space<vmem_shared>>
    %dma_wait3A_103 = arith.constant 0 : i32
    %dma_wait3A_104 = tpu.memref_slice %arg15[%add3A_33, %dma_wait3A_103] : memref<10112x16xf32, #tpu.memory_space<vmem_shared>> -> memref<128x16xf32, #tpu.memory_space<vmem_shared>>
    tpu.wait_dma2 semaphore(%arg18 : memref<!tpu.dma_semaphore, #tpu.memory_space<semaphore_mem>>) src(%arg12 : memref<128x16xf32, #tpu.memory_space<vmem>>) dst(%dma_wait3A_104 : memref<128x16xf32, #tpu.memory_space<vmem_shared>>)
    %dma_wait3A_105 = arith.constant 0 : i32
    %dma_wait3A_106 = tpu.memref_slice %arg14[%add3A_39, %dma_wait3A_105] : memref<10112x64xf32, #tpu.memory_space<vmem_shared>> -> memref<128x64xf32, #tpu.memory_space<vmem_shared>>
    %dma_wait3A_107 = arith.constant 0 : i32
    %dma_wait3A_108 = tpu.memref_slice %arg14[%add3A_39, %dma_wait3A_107] : memref<10112x64xf32, #tpu.memory_space<vmem_shared>> -> memref<128x64xf32, #tpu.memory_space<vmem_shared>>
    tpu.wait_dma2 semaphore(%arg18 : memref<!tpu.dma_semaphore, #tpu.memory_space<semaphore_mem>>) src(%arg11 : memref<128x64xf32, #tpu.memory_space<vmem>>) dst(%dma_wait3A_108 : memref<128x64xf32, #tpu.memory_space<vmem_shared>>)
    %dma_wait3A_109 = arith.constant 0 : i32
    %dma_wait3A_110 = tpu.memref_slice %arg15[%add3A_45, %dma_wait3A_109] : memref<10112x16xf32, #tpu.memory_space<vmem_shared>> -> memref<128x16xf32, #tpu.memory_space<vmem_shared>>
    %dma_wait3A_111 = arith.constant 0 : i32
    %dma_wait3A_112 = tpu.memref_slice %arg15[%add3A_45, %dma_wait3A_111] : memref<10112x16xf32, #tpu.memory_space<vmem_shared>> -> memref<128x16xf32, #tpu.memory_space<vmem_shared>>
    tpu.wait_dma2 semaphore(%arg18 : memref<!tpu.dma_semaphore, #tpu.memory_space<semaphore_mem>>) src(%arg12 : memref<128x16xf32, #tpu.memory_space<vmem>>) dst(%dma_wait3A_112 : memref<128x16xf32, #tpu.memory_space<vmem_shared>>)
    %dma_wait3A_113 = arith.constant 0 : i32
    %dma_wait3A_114 = tpu.memref_slice %arg14[%add3A_51, %dma_wait3A_113] : memref<10112x64xf32, #tpu.memory_space<vmem_shared>> -> memref<128x64xf32, #tpu.memory_space<vmem_shared>>
    %dma_wait3A_115 = arith.constant 0 : i32
    %dma_wait3A_116 = tpu.memref_slice %arg14[%add3A_51, %dma_wait3A_115] : memref<10112x64xf32, #tpu.memory_space<vmem_shared>> -> memref<128x64xf32, #tpu.memory_space<vmem_shared>>
    tpu.wait_dma2 semaphore(%arg18 : memref<!tpu.dma_semaphore, #tpu.memory_space<semaphore_mem>>) src(%arg11 : memref<128x64xf32, #tpu.memory_space<vmem>>) dst(%dma_wait3A_116 : memref<128x64xf32, #tpu.memory_space<vmem_shared>>)
    %dma_wait3A_117 = arith.constant 0 : i32
    %dma_wait3A_118 = tpu.memref_slice %arg15[%add3A_57, %dma_wait3A_117] : memref<10112x16xf32, #tpu.memory_space<vmem_shared>> -> memref<128x16xf32, #tpu.memory_space<vmem_shared>>
    %dma_wait3A_119 = arith.constant 0 : i32
    %dma_wait3A_120 = tpu.memref_slice %arg15[%add3A_57, %dma_wait3A_119] : memref<10112x16xf32, #tpu.memory_space<vmem_shared>> -> memref<128x16xf32, #tpu.memory_space<vmem_shared>>
    tpu.wait_dma2 semaphore(%arg18 : memref<!tpu.dma_semaphore, #tpu.memory_space<semaphore_mem>>) src(%arg12 : memref<128x16xf32, #tpu.memory_space<vmem>>) dst(%dma_wait3A_120 : memref<128x16xf32, #tpu.memory_space<vmem_shared>>)
    %dma_wait3A_121 = arith.constant 0 : i32
    %dma_wait3A_122 = tpu.memref_slice %arg14[%add3A_63, %dma_wait3A_121] : memref<10112x64xf32, #tpu.memory_space<vmem_shared>> -> memref<128x64xf32, #tpu.memory_space<vmem_shared>>
    %dma_wait3A_123 = arith.constant 0 : i32
    %dma_wait3A_124 = tpu.memref_slice %arg14[%add3A_63, %dma_wait3A_123] : memref<10112x64xf32, #tpu.memory_space<vmem_shared>> -> memref<128x64xf32, #tpu.memory_space<vmem_shared>>
    tpu.wait_dma2 semaphore(%arg18 : memref<!tpu.dma_semaphore, #tpu.memory_space<semaphore_mem>>) src(%arg11 : memref<128x64xf32, #tpu.memory_space<vmem>>) dst(%dma_wait3A_124 : memref<128x64xf32, #tpu.memory_space<vmem_shared>>)
    %dma_wait3A_125 = arith.constant 0 : i32
    %dma_wait3A_126 = tpu.memref_slice %arg15[%add3A_69, %dma_wait3A_125] : memref<10112x16xf32, #tpu.memory_space<vmem_shared>> -> memref<128x16xf32, #tpu.memory_space<vmem_shared>>
    %dma_wait3A_127 = arith.constant 0 : i32
    %dma_wait3A_128 = tpu.memref_slice %arg15[%add3A_69, %dma_wait3A_127] : memref<10112x16xf32, #tpu.memory_space<vmem_shared>> -> memref<128x16xf32, #tpu.memory_space<vmem_shared>>
    tpu.wait_dma2 semaphore(%arg18 : memref<!tpu.dma_semaphore, #tpu.memory_space<semaphore_mem>>) src(%arg12 : memref<128x16xf32, #tpu.memory_space<vmem>>) dst(%dma_wait3A_128 : memref<128x16xf32, #tpu.memory_space<vmem_shared>>)
    %dma_wait3A_129 = arith.constant 0 : i32
    %dma_wait3A_130 = arith.constant 0 : i32
    %dma_wait3A_131 = tpu.memref_slice %arg11[%dma_wait3A_129, %dma_wait3A_130] : memref<128x64xf32, #tpu.memory_space<vmem>> -> memref<120x64xf32, #tpu.memory_space<vmem>>
    %dma_wait3A_132 = arith.constant 0 : i32
    %dma_wait3A_133 = tpu.memref_slice %arg14[%add3A_75, %dma_wait3A_132] : memref<10112x64xf32, #tpu.memory_space<vmem_shared>> -> memref<120x64xf32, #tpu.memory_space<vmem_shared>>
    %dma_wait3A_134 = arith.constant 0 : i32
    %dma_wait3A_135 = tpu.memref_slice %arg14[%add3A_75, %dma_wait3A_134] : memref<10112x64xf32, #tpu.memory_space<vmem_shared>> -> memref<120x64xf32, #tpu.memory_space<vmem_shared>>
    %dma_wait3A_136 = arith.constant 0 : i32
    %dma_wait3A_137 = arith.constant 0 : i32
    %dma_wait3A_138 = tpu.memref_slice %arg11[%dma_wait3A_136, %dma_wait3A_137] : memref<128x64xf32, #tpu.memory_space<vmem>> -> memref<120x64xf32, #tpu.memory_space<vmem>>
    tpu.wait_dma2 semaphore(%arg18 : memref<!tpu.dma_semaphore, #tpu.memory_space<semaphore_mem>>) src(%dma_wait3A_138 : memref<120x64xf32, #tpu.memory_space<vmem>>) dst(%dma_wait3A_135 : memref<120x64xf32, #tpu.memory_space<vmem_shared>>)
    %dma_wait3A_139 = arith.constant 0 : i32
    %dma_wait3A_140 = arith.constant 0 : i32
    %dma_wait3A_141 = tpu.memref_slice %arg12[%dma_wait3A_139, %dma_wait3A_140] : memref<128x16xf32, #tpu.memory_space<vmem>> -> memref<120x16xf32, #tpu.memory_space<vmem>>
    %dma_wait3A_142 = arith.constant 0 : i32
    %dma_wait3A_143 = tpu.memref_slice %arg15[%add3A_87, %dma_wait3A_142] : memref<10112x16xf32, #tpu.memory_space<vmem_shared>> -> memref<120x16xf32, #tpu.memory_space<vmem_shared>>
    %dma_wait3A_144 = arith.constant 0 : i32
    %dma_wait3A_145 = tpu.memref_slice %arg15[%add3A_87, %dma_wait3A_144] : memref<10112x16xf32, #tpu.memory_space<vmem_shared>> -> memref<120x16xf32, #tpu.memory_space<vmem_shared>>
    %dma_wait3A_146 = arith.constant 0 : i32
    %dma_wait3A_147 = arith.constant 0 : i32
    %dma_wait3A_148 = tpu.memref_slice %arg12[%dma_wait3A_146, %dma_wait3A_147] : memref<128x16xf32, #tpu.memory_space<vmem>> -> memref<120x16xf32, #tpu.memory_space<vmem>>
    tpu.wait_dma2 semaphore(%arg18 : memref<!tpu.dma_semaphore, #tpu.memory_space<semaphore_mem>>) src(%dma_wait3A_148 : memref<120x16xf32, #tpu.memory_space<vmem>>) dst(%dma_wait3A_145 : memref<120x16xf32, #tpu.memory_space<vmem_shared>>)
    %barrier3A = arith.constant 0 : index
    tpu.barrier barrier_id(%barrier3A)
    %scan3A_149 = arith.constant 0 : i32
    %scan3A_150 = arith.constant 0 : i32
    %scan3A_151 = arith.constant 79 : i32
    %scan3A_152 = arith.addi %scan3A_150, %scan3A_151 : i32
    %scan3A_153 = arith.constant 1 : i32
    scf.for %scan3A_178 = %scan3A_150 to %scan3A_152 step %scan3A_153  : i32 {
      %mul3A_179 = arith.constant 2 : i32
      %mul3A_180 = arith.muli %scan3A_178, %mul3A_179 : i32
      %add3A_181 = arith.constant 0 : i32
      %add3A_182 = arith.addi %mul3A_180, %add3A_181 : i32
      %dma_wait3A_183 = arith.constant 0 : i32
      %dma_wait3A_184 = tpu.memref_slice %arg7[%add3A_182, %dma_wait3A_183] : memref<158x128xi32, #tpu.memory_space<vmem>> -> memref<1x128xi32, #tpu.memory_space<vmem>>
      %dma_wait3A_185 = tpu.memref_squeeze %dma_wait3A_184 : memref<1x128xi32, #tpu.memory_space<vmem>> -> memref<128xi32, #tpu.memory_space<vmem>>
      %dma_wait3A_186 = arith.constant 0 : i32
      %dma_wait3A_187 = arith.constant 0 : i32
      %dma_wait3A_188 = tpu.memref_slice %arg2[%arg0, %dma_wait3A_186, %dma_wait3A_187] : memref<2x10000x64xf32, #tpu.memory_space<hbm>> -> memref<1x10000x64xf32, #tpu.memory_space<hbm>>
      %dma_wait3A_189 = tpu.memref_squeeze %dma_wait3A_188 : memref<1x10000x64xf32, #tpu.memory_space<hbm>> -> memref<10000x64xf32, #tpu.memory_space<hbm>>
      %dma_wait3A_190 = arith.constant 0 : i32
      %dma_wait3A_191 = arith.constant 0 : i32
      %dma_wait3A_192 = tpu.memref_slice %dma_wait3A_189[%dma_wait3A_190, %dma_wait3A_191] : memref<10000x64xf32, #tpu.memory_space<hbm>> -> memref<10000x64xf32, #tpu.memory_space<hbm>>
      tpu.wait_indirect_dma semaphore(%arg16 : memref<!tpu.dma_semaphore, #tpu.memory_space<semaphore_mem>>) src(%dma_wait3A_192 : memref<10000x64xf32, #tpu.memory_space<hbm>>) dst(%arg9 : memref<128x64xf32, #tpu.memory_space<vmem>>)
      "tpu.region"() ({
        %run_scoped3A = tpu.sem_alloc : memref<!tpu.dma_semaphore, #tpu.memory_space<semaphore_mem>>
        %dma_start3A_233 = arith.constant 0 : i32
        %dma_start3A_234 = tpu.memref_slice %arg8[%add3A_182, %dma_start3A_233] : memref<158x128xi32, #tpu.memory_space<vmem>> -> memref<1x128xi32, #tpu.memory_space<vmem>>
        %dma_start3A_235 = tpu.memref_squeeze %dma_start3A_234 : memref<1x128xi32, #tpu.memory_space<vmem>> -> memref<128xi32, #tpu.memory_space<vmem>>
        %dma_start3A_236 = arith.constant 0 : i32
        %dma_start3A_237 = arith.constant 0 : i32
        %dma_start3A_238 = tpu.memref_slice %arg14[%dma_start3A_236, %dma_start3A_237] : memref<10112x64xf32, #tpu.memory_space<vmem_shared>> -> memref<10112x64xf32, #tpu.memory_space<vmem_shared>>
        tpu.enqueue_indirect_dma source(%arg9 : memref<128x64xf32, #tpu.memory_space<vmem>>) target(%dma_start3A_238 : memref<10112x64xf32, #tpu.memory_space<vmem_shared>>) offsets(%dma_start3A_235 : memref<128xi32, #tpu.memory_space<vmem>>) semaphore(%run_scoped3A : memref<!tpu.dma_semaphore, #tpu.memory_space<semaphore_mem>>) {add = true}
        %dma_wait3A_239 = arith.constant 0 : i32
        %dma_wait3A_240 = tpu.memref_slice %arg8[%add3A_182, %dma_wait3A_239] : memref<158x128xi32, #tpu.memory_space<vmem>> -> memref<1x128xi32, #tpu.memory_space<vmem>>
        %dma_wait3A_241 = tpu.memref_squeeze %dma_wait3A_240 : memref<1x128xi32, #tpu.memory_space<vmem>> -> memref<128xi32, #tpu.memory_space<vmem>>
        %dma_wait3A_242 = arith.constant 0 : i32
        %dma_wait3A_243 = arith.constant 0 : i32
        %dma_wait3A_244 = tpu.memref_slice %arg14[%dma_wait3A_242, %dma_wait3A_243] : memref<10112x64xf32, #tpu.memory_space<vmem_shared>> -> memref<10112x64xf32, #tpu.memory_space<vmem_shared>>
        tpu.wait_indirect_dma semaphore(%run_scoped3A : memref<!tpu.dma_semaphore, #tpu.memory_space<semaphore_mem>>) src(%arg9 : memref<128x64xf32, #tpu.memory_space<vmem>>) dst(%dma_wait3A_244 : memref<10112x64xf32, #tpu.memory_space<vmem_shared>>)
        tpu.yield
      }) : () -> ()
      %eq3A = arith.constant 0 : i32
      %eq3A_193 = arith.cmpi eq, %arg0, %eq3A : i32
      %lt3A = arith.constant 79 : i32
      %lt3A_194 = arith.cmpi slt, %add3A_182, %lt3A : i32
      %ge3A = arith.constant 79 : i32
      %ge3A_195 = arith.cmpi sge, %add3A_182, %ge3A : i32
      %select_n3A = arith.select %eq3A_193, %lt3A_194, %ge3A_195 : i1
      %convert_element_type3A = arith.extui %select_n3A : i1 to i32
      %cond3A = arith.constant 0 : i32
      %cond3A_196 = arith.cmpi ne, %convert_element_type3A, %cond3A : i32
      scf.if %cond3A_196 {
        "tpu.region"() ({
          %run_scoped3A = tpu.sem_alloc : memref<!tpu.dma_semaphore, #tpu.memory_space<semaphore_mem>>
          %dma_start3A_233 = arith.constant 0 : i32
          %dma_start3A_234 = tpu.memref_slice %arg8[%add3A_182, %dma_start3A_233] : memref<158x128xi32, #tpu.memory_space<vmem>> -> memref<1x128xi32, #tpu.memory_space<vmem>>
          %dma_start3A_235 = tpu.memref_squeeze %dma_start3A_234 : memref<1x128xi32, #tpu.memory_space<vmem>> -> memref<128xi32, #tpu.memory_space<vmem>>
          %dma_start3A_236 = arith.constant 0 : i32
          %dma_start3A_237 = arith.constant 0 : i32
          %dma_start3A_238 = tpu.memref_slice %arg15[%dma_start3A_236, %dma_start3A_237] : memref<10112x16xf32, #tpu.memory_space<vmem_shared>> -> memref<10112x16xf32, #tpu.memory_space<vmem_shared>>
          tpu.enqueue_indirect_dma source(%arg13 : memref<128x16xf32, #tpu.memory_space<vmem>>) target(%dma_start3A_238 : memref<10112x16xf32, #tpu.memory_space<vmem_shared>>) offsets(%dma_start3A_235 : memref<128xi32, #tpu.memory_space<vmem>>) semaphore(%run_scoped3A : memref<!tpu.dma_semaphore, #tpu.memory_space<semaphore_mem>>) {add = true}
          %dma_wait3A_239 = arith.constant 0 : i32
          %dma_wait3A_240 = tpu.memref_slice %arg8[%add3A_182, %dma_wait3A_239] : memref<158x128xi32, #tpu.memory_space<vmem>> -> memref<1x128xi32, #tpu.memory_space<vmem>>
          %dma_wait3A_241 = tpu.memref_squeeze %dma_wait3A_240 : memref<1x128xi32, #tpu.memory_space<vmem>> -> memref<128xi32, #tpu.memory_space<vmem>>
          %dma_wait3A_242 = arith.constant 0 : i32
          %dma_wait3A_243 = arith.constant 0 : i32
          %dma_wait3A_244 = tpu.memref_slice %arg15[%dma_wait3A_242, %dma_wait3A_243] : memref<10112x16xf32, #tpu.memory_space<vmem_shared>> -> memref<10112x16xf32, #tpu.memory_space<vmem_shared>>
          tpu.wait_indirect_dma semaphore(%run_scoped3A : memref<!tpu.dma_semaphore, #tpu.memory_space<semaphore_mem>>) src(%arg13 : memref<128x16xf32, #tpu.memory_space<vmem>>) dst(%dma_wait3A_244 : memref<10112x16xf32, #tpu.memory_space<vmem_shared>>)
          tpu.yield
        }) : () -> ()
      } else {
      }
      %add3A_197 = arith.constant 2 : i32
      %add3A_198 = arith.addi %add3A_182, %add3A_197 : i32
      %lt3A_199 = arith.constant 158 : i32
      %lt3A_200 = arith.cmpi slt, %add3A_198, %lt3A_199 : i32
      %convert_element_type3A_201 = arith.extui %lt3A_200 : i1 to i32
      %cond3A_202 = arith.constant 0 : i32
      %cond3A_203 = arith.cmpi ne, %convert_element_type3A_201, %cond3A_202 : i32
      scf.if %cond3A_203 {
        %add3A_233 = arith.constant 2 : i32
        %add3A_234 = arith.addi %add3A_182, %add3A_233 : i32
        %dma_start3A_235 = arith.constant 0 : i32
        %dma_start3A_236 = tpu.memref_slice %arg7[%add3A_234, %dma_start3A_235] : memref<158x128xi32, #tpu.memory_space<vmem>> -> memref<1x128xi32, #tpu.memory_space<vmem>>
        %dma_start3A_237 = tpu.memref_squeeze %dma_start3A_236 : memref<1x128xi32, #tpu.memory_space<vmem>> -> memref<128xi32, #tpu.memory_space<vmem>>
        %dma_start3A_238 = arith.constant 0 : i32
        %dma_start3A_239 = arith.constant 0 : i32
        %dma_start3A_240 = tpu.memref_slice %arg2[%arg0, %dma_start3A_238, %dma_start3A_239] : memref<2x10000x64xf32, #tpu.memory_space<hbm>> -> memref<1x10000x64xf32, #tpu.memory_space<hbm>>
        %dma_start3A_241 = tpu.memref_squeeze %dma_start3A_240 : memref<1x10000x64xf32, #tpu.memory_space<hbm>> -> memref<10000x64xf32, #tpu.memory_space<hbm>>
        %dma_start3A_242 = arith.constant 0 : i32
        %dma_start3A_243 = arith.constant 0 : i32
        %dma_start3A_244 = tpu.memref_slice %dma_start3A_241[%dma_start3A_242, %dma_start3A_243] : memref<10000x64xf32, #tpu.memory_space<hbm>> -> memref<10000x64xf32, #tpu.memory_space<hbm>>
        tpu.enqueue_indirect_dma source(%dma_start3A_244 : memref<10000x64xf32, #tpu.memory_space<hbm>>) target(%arg9 : memref<128x64xf32, #tpu.memory_space<vmem>>) offsets(%dma_start3A_237 : memref<128xi32, #tpu.memory_space<vmem>>) semaphore(%arg16 : memref<!tpu.dma_semaphore, #tpu.memory_space<semaphore_mem>>)
      } else {
      }
      %add3A_204 = arith.constant 1 : i32
      %add3A_205 = arith.addi %mul3A_180, %add3A_204 : i32
      %dma_wait3A_206 = arith.constant 0 : i32
      %dma_wait3A_207 = tpu.memref_slice %arg7[%add3A_205, %dma_wait3A_206] : memref<158x128xi32, #tpu.memory_space<vmem>> -> memref<1x128xi32, #tpu.memory_space<vmem>>
      %dma_wait3A_208 = tpu.memref_squeeze %dma_wait3A_207 : memref<1x128xi32, #tpu.memory_space<vmem>> -> memref<128xi32, #tpu.memory_space<vmem>>
      %dma_wait3A_209 = arith.constant 0 : i32
      %dma_wait3A_210 = arith.constant 0 : i32
      %dma_wait3A_211 = tpu.memref_slice %arg2[%arg0, %dma_wait3A_209, %dma_wait3A_210] : memref<2x10000x64xf32, #tpu.memory_space<hbm>> -> memref<1x10000x64xf32, #tpu.memory_space<hbm>>
      %dma_wait3A_212 = tpu.memref_squeeze %dma_wait3A_211 : memref<1x10000x64xf32, #tpu.memory_space<hbm>> -> memref<10000x64xf32, #tpu.memory_space<hbm>>
      %dma_wait3A_213 = arith.constant 0 : i32
      %dma_wait3A_214 = arith.constant 0 : i32
      %dma_wait3A_215 = tpu.memref_slice %dma_wait3A_212[%dma_wait3A_213, %dma_wait3A_214] : memref<10000x64xf32, #tpu.memory_space<hbm>> -> memref<10000x64xf32, #tpu.memory_space<hbm>>
      tpu.wait_indirect_dma semaphore(%arg17 : memref<!tpu.dma_semaphore, #tpu.memory_space<semaphore_mem>>) src(%dma_wait3A_215 : memref<10000x64xf32, #tpu.memory_space<hbm>>) dst(%arg10 : memref<128x64xf32, #tpu.memory_space<vmem>>)
      "tpu.region"() ({
        %run_scoped3A = tpu.sem_alloc : memref<!tpu.dma_semaphore, #tpu.memory_space<semaphore_mem>>
        %dma_start3A_233 = arith.constant 0 : i32
        %dma_start3A_234 = tpu.memref_slice %arg8[%add3A_205, %dma_start3A_233] : memref<158x128xi32, #tpu.memory_space<vmem>> -> memref<1x128xi32, #tpu.memory_space<vmem>>
        %dma_start3A_235 = tpu.memref_squeeze %dma_start3A_234 : memref<1x128xi32, #tpu.memory_space<vmem>> -> memref<128xi32, #tpu.memory_space<vmem>>
        %dma_start3A_236 = arith.constant 0 : i32
        %dma_start3A_237 = arith.constant 0 : i32
        %dma_start3A_238 = tpu.memref_slice %arg14[%dma_start3A_236, %dma_start3A_237] : memref<10112x64xf32, #tpu.memory_space<vmem_shared>> -> memref<10112x64xf32, #tpu.memory_space<vmem_shared>>
        tpu.enqueue_indirect_dma source(%arg10 : memref<128x64xf32, #tpu.memory_space<vmem>>) target(%dma_start3A_238 : memref<10112x64xf32, #tpu.memory_space<vmem_shared>>) offsets(%dma_start3A_235 : memref<128xi32, #tpu.memory_space<vmem>>) semaphore(%run_scoped3A : memref<!tpu.dma_semaphore, #tpu.memory_space<semaphore_mem>>) {add = true}
        %dma_wait3A_239 = arith.constant 0 : i32
        %dma_wait3A_240 = tpu.memref_slice %arg8[%add3A_205, %dma_wait3A_239] : memref<158x128xi32, #tpu.memory_space<vmem>> -> memref<1x128xi32, #tpu.memory_space<vmem>>
        %dma_wait3A_241 = tpu.memref_squeeze %dma_wait3A_240 : memref<1x128xi32, #tpu.memory_space<vmem>> -> memref<128xi32, #tpu.memory_space<vmem>>
        %dma_wait3A_242 = arith.constant 0 : i32
        %dma_wait3A_243 = arith.constant 0 : i32
        %dma_wait3A_244 = tpu.memref_slice %arg14[%dma_wait3A_242, %dma_wait3A_243] : memref<10112x64xf32, #tpu.memory_space<vmem_shared>> -> memref<10112x64xf32, #tpu.memory_space<vmem_shared>>
        tpu.wait_indirect_dma semaphore(%run_scoped3A : memref<!tpu.dma_semaphore, #tpu.memory_space<semaphore_mem>>) src(%arg10 : memref<128x64xf32, #tpu.memory_space<vmem>>) dst(%dma_wait3A_244 : memref<10112x64xf32, #tpu.memory_space<vmem_shared>>)
        tpu.yield
      }) : () -> ()
      %eq3A_216 = arith.constant 0 : i32
      %eq3A_217 = arith.cmpi eq, %arg0, %eq3A_216 : i32
      %lt3A_218 = arith.constant 79 : i32
      %lt3A_219 = arith.cmpi slt, %add3A_205, %lt3A_218 : i32
      %ge3A_220 = arith.constant 79 : i32
      %ge3A_221 = arith.cmpi sge, %add3A_205, %ge3A_220 : i32
      %select_n3A_222 = arith.select %eq3A_217, %lt3A_219, %ge3A_221 : i1
      %convert_element_type3A_223 = arith.extui %select_n3A_222 : i1 to i32
      %cond3A_224 = arith.constant 0 : i32
      %cond3A_225 = arith.cmpi ne, %convert_element_type3A_223, %cond3A_224 : i32
      scf.if %cond3A_225 {
        "tpu.region"() ({
          %run_scoped3A = tpu.sem_alloc : memref<!tpu.dma_semaphore, #tpu.memory_space<semaphore_mem>>
          %dma_start3A_233 = arith.constant 0 : i32
          %dma_start3A_234 = tpu.memref_slice %arg8[%add3A_205, %dma_start3A_233] : memref<158x128xi32, #tpu.memory_space<vmem>> -> memref<1x128xi32, #tpu.memory_space<vmem>>
          %dma_start3A_235 = tpu.memref_squeeze %dma_start3A_234 : memref<1x128xi32, #tpu.memory_space<vmem>> -> memref<128xi32, #tpu.memory_space<vmem>>
          %dma_start3A_236 = arith.constant 0 : i32
          %dma_start3A_237 = arith.constant 0 : i32
          %dma_start3A_238 = tpu.memref_slice %arg15[%dma_start3A_236, %dma_start3A_237] : memref<10112x16xf32, #tpu.memory_space<vmem_shared>> -> memref<10112x16xf32, #tpu.memory_space<vmem_shared>>
          tpu.enqueue_indirect_dma source(%arg13 : memref<128x16xf32, #tpu.memory_space<vmem>>) target(%dma_start3A_238 : memref<10112x16xf32, #tpu.memory_space<vmem_shared>>) offsets(%dma_start3A_235 : memref<128xi32, #tpu.memory_space<vmem>>) semaphore(%run_scoped3A : memref<!tpu.dma_semaphore, #tpu.memory_space<semaphore_mem>>) {add = true}
          %dma_wait3A_239 = arith.constant 0 : i32
          %dma_wait3A_240 = tpu.memref_slice %arg8[%add3A_205, %dma_wait3A_239] : memref<158x128xi32, #tpu.memory_space<vmem>> -> memref<1x128xi32, #tpu.memory_space<vmem>>
          %dma_wait3A_241 = tpu.memref_squeeze %dma_wait3A_240 : memref<1x128xi32, #tpu.memory_space<vmem>> -> memref<128xi32, #tpu.memory_space<vmem>>
          %dma_wait3A_242 = arith.constant 0 : i32
          %dma_wait3A_243 = arith.constant 0 : i32
          %dma_wait3A_244 = tpu.memref_slice %arg15[%dma_wait3A_242, %dma_wait3A_243] : memref<10112x16xf32, #tpu.memory_space<vmem_shared>> -> memref<10112x16xf32, #tpu.memory_space<vmem_shared>>
          tpu.wait_indirect_dma semaphore(%run_scoped3A : memref<!tpu.dma_semaphore, #tpu.memory_space<semaphore_mem>>) src(%arg13 : memref<128x16xf32, #tpu.memory_space<vmem>>) dst(%dma_wait3A_244 : memref<10112x16xf32, #tpu.memory_space<vmem_shared>>)
          tpu.yield
        }) : () -> ()
      } else {
      }
      %add3A_226 = arith.constant 2 : i32
      %add3A_227 = arith.addi %add3A_205, %add3A_226 : i32
      %lt3A_228 = arith.constant 158 : i32
      %lt3A_229 = arith.cmpi slt, %add3A_227, %lt3A_228 : i32
      %convert_element_type3A_230 = arith.extui %lt3A_229 : i1 to i32
      %cond3A_231 = arith.constant 0 : i32
      %cond3A_232 = arith.cmpi ne, %convert_element_type3A_230, %cond3A_231 : i32
      scf.if %cond3A_232 {
        %add3A_233 = arith.constant 2 : i32
        %add3A_234 = arith.addi %add3A_205, %add3A_233 : i32
        %dma_start3A_235 = arith.constant 0 : i32
        %dma_start3A_236 = tpu.memref_slice %arg7[%add3A_234, %dma_start3A_235] : memref<158x128xi32, #tpu.memory_space<vmem>> -> memref<1x128xi32, #tpu.memory_space<vmem>>
        %dma_start3A_237 = tpu.memref_squeeze %dma_start3A_236 : memref<1x128xi32, #tpu.memory_space<vmem>> -> memref<128xi32, #tpu.memory_space<vmem>>
        %dma_start3A_238 = arith.constant 0 : i32
        %dma_start3A_239 = arith.constant 0 : i32
        %dma_start3A_240 = tpu.memref_slice %arg2[%arg0, %dma_start3A_238, %dma_start3A_239] : memref<2x10000x64xf32, #tpu.memory_space<hbm>> -> memref<1x10000x64xf32, #tpu.memory_space<hbm>>
        %dma_start3A_241 = tpu.memref_squeeze %dma_start3A_240 : memref<1x10000x64xf32, #tpu.memory_space<hbm>> -> memref<10000x64xf32, #tpu.memory_space<hbm>>
        %dma_start3A_242 = arith.constant 0 : i32
        %dma_start3A_243 = arith.constant 0 : i32
        %dma_start3A_244 = tpu.memref_slice %dma_start3A_241[%dma_start3A_242, %dma_start3A_243] : memref<10000x64xf32, #tpu.memory_space<hbm>> -> memref<10000x64xf32, #tpu.memory_space<hbm>>
        tpu.enqueue_indirect_dma source(%dma_start3A_244 : memref<10000x64xf32, #tpu.memory_space<hbm>>) target(%arg10 : memref<128x64xf32, #tpu.memory_space<vmem>>) offsets(%dma_start3A_237 : memref<128xi32, #tpu.memory_space<vmem>>) semaphore(%arg17 : memref<!tpu.dma_semaphore, #tpu.memory_space<semaphore_mem>>)
      } else {
      }
    }
    %scan3A_154 = arith.constant 79 : i32
    %barrier3A_155 = arith.constant 0 : index
    tpu.barrier barrier_id(%barrier3A_155)
    %mul3A_156 = arith.constant 632 : i32
    %mul3A_157 = arith.muli %arg1, %mul3A_156 : i32
    %dma_start3A_158 = arith.constant 0 : i32
    %dma_start3A_159 = tpu.memref_slice %arg5[%arg0, %mul3A_157, %dma_start3A_158] : memref<2x10112x64xf32, #tpu.memory_space<hbm>> -> memref<1x632x64xf32, #tpu.memory_space<hbm>>
    %dma_start3A_160 = tpu.memref_squeeze %dma_start3A_159 : memref<1x632x64xf32, #tpu.memory_space<hbm>> -> memref<632x64xf32, #tpu.memory_space<hbm>>
    %dma_start3A_161 = arith.constant 0 : i32
    %dma_start3A_162 = tpu.memref_slice %arg14[%mul3A_157, %dma_start3A_161] : memref<10112x64xf32, #tpu.memory_space<vmem_shared>> -> memref<632x64xf32, #tpu.memory_space<vmem_shared>>
    tpu.enqueue_dma source(%dma_start3A_162 : memref<632x64xf32, #tpu.memory_space<vmem_shared>>) target(%dma_start3A_160 : memref<632x64xf32, #tpu.memory_space<hbm>>) target_semaphore(%arg18 : memref<!tpu.dma_semaphore, #tpu.memory_space<semaphore_mem>>)
    %dma_start3A_163 = arith.constant 0 : i32
    %dma_start3A_164 = tpu.memref_slice %arg6[%arg0, %mul3A_157, %dma_start3A_163] : memref<2x10112x16xf32, #tpu.memory_space<hbm>> -> memref<1x632x16xf32, #tpu.memory_space<hbm>>
    %dma_start3A_165 = tpu.memref_squeeze %dma_start3A_164 : memref<1x632x16xf32, #tpu.memory_space<hbm>> -> memref<632x16xf32, #tpu.memory_space<hbm>>
    %dma_start3A_166 = arith.constant 0 : i32
    %dma_start3A_167 = tpu.memref_slice %arg15[%mul3A_157, %dma_start3A_166] : memref<10112x16xf32, #tpu.memory_space<vmem_shared>> -> memref<632x16xf32, #tpu.memory_space<vmem_shared>>
    tpu.enqueue_dma source(%dma_start3A_167 : memref<632x16xf32, #tpu.memory_space<vmem_shared>>) target(%dma_start3A_165 : memref<632x16xf32, #tpu.memory_space<hbm>>) target_semaphore(%arg18 : memref<!tpu.dma_semaphore, #tpu.memory_space<semaphore_mem>>)
    %dma_wait3A_168 = arith.constant 0 : i32
    %dma_wait3A_169 = tpu.memref_slice %arg5[%arg0, %mul3A_157, %dma_wait3A_168] : memref<2x10112x64xf32, #tpu.memory_space<hbm>> -> memref<1x632x64xf32, #tpu.memory_space<hbm>>
    %dma_wait3A_170 = tpu.memref_squeeze %dma_wait3A_169 : memref<1x632x64xf32, #tpu.memory_space<hbm>> -> memref<632x64xf32, #tpu.memory_space<hbm>>
    %dma_wait3A_171 = arith.constant 0 : i32
    %dma_wait3A_172 = tpu.memref_slice %arg14[%mul3A_157, %dma_wait3A_171] : memref<10112x64xf32, #tpu.memory_space<vmem_shared>> -> memref<632x64xf32, #tpu.memory_space<vmem_shared>>
    tpu.wait_dma2 semaphore(%arg18 : memref<!tpu.dma_semaphore, #tpu.memory_space<semaphore_mem>>) src(%dma_wait3A_172 : memref<632x64xf32, #tpu.memory_space<vmem_shared>>) dst(%dma_wait3A_170 : memref<632x64xf32, #tpu.memory_space<hbm>>)
    %dma_wait3A_173 = arith.constant 0 : i32
    %dma_wait3A_174 = tpu.memref_slice %arg6[%arg0, %mul3A_157, %dma_wait3A_173] : memref<2x10112x16xf32, #tpu.memory_space<hbm>> -> memref<1x632x16xf32, #tpu.memory_space<hbm>>
    %dma_wait3A_175 = tpu.memref_squeeze %dma_wait3A_174 : memref<1x632x16xf32, #tpu.memory_space<hbm>> -> memref<632x16xf32, #tpu.memory_space<hbm>>
    %dma_wait3A_176 = arith.constant 0 : i32
    %dma_wait3A_177 = tpu.memref_slice %arg15[%mul3A_157, %dma_wait3A_176] : memref<10112x16xf32, #tpu.memory_space<vmem_shared>> -> memref<632x16xf32, #tpu.memory_space<vmem_shared>>
    tpu.wait_dma2 semaphore(%arg18 : memref<!tpu.dma_semaphore, #tpu.memory_space<semaphore_mem>>) src(%dma_wait3A_177 : memref<632x16xf32, #tpu.memory_space<vmem_shared>>) dst(%dma_wait3A_175 : memref<632x16xf32, #tpu.memory_space<hbm>>)
    return
  }
}

#map = affine_map<(d0, d1) -> (0, 0, 0)>
module attributes {stable_mosaic.version = 14 : i64} {
  func.func @sc_agg(%arg0: i32, %arg1: i32, %arg2: memref<2x10000x64xf32, #tpu.memory_space<hbm>>, %arg3: memref<16x158x128xi32, #tpu.memory_space<hbm>>, %arg4: memref<16x158x128xi32, #tpu.memory_space<hbm>>, %arg5: memref<2x10112x64xf32, #tpu.memory_space<hbm>>, %arg6: memref<2x10112x16xf32, #tpu.memory_space<hbm>>, %arg7: memref<158x128xi32, #tpu.memory_space<vmem>>, %arg8: memref<158x128xi32, #tpu.memory_space<vmem>>, %arg9: memref<128x64xf32, #tpu.memory_space<vmem>>, %arg10: memref<128x64xf32, #tpu.memory_space<vmem>>, %arg11: memref<128x64xf32, #tpu.memory_space<vmem>>, %arg12: memref<128x16xf32, #tpu.memory_space<vmem>>, %arg13: memref<128x16xf32, #tpu.memory_space<vmem>>, %arg14: memref<10112x64xf32, #tpu.memory_space<vmem_shared>>, %arg15: memref<10112x16xf32, #tpu.memory_space<vmem_shared>>, %arg16: memref<!tpu.dma_semaphore, #tpu.memory_space<semaphore_mem>>, %arg17: memref<!tpu.dma_semaphore, #tpu.memory_space<semaphore_mem>>, %arg18: memref<!tpu.dma_semaphore, #tpu.memory_space<semaphore_mem>>) attributes {dimension_semantics = [#tpu.dimension_semantics<core_parallel>, #tpu.dimension_semantics<subcore_parallel>], iteration_bounds = array<i64: 2, 16>, scalar_prefetch = 0 : i64, scratch_operands = 12 : i64, tpu.core_type = #tpu.core_type<sc_vector_subcore>, window_params = [{transform_indices = #map}, {transform_indices = #map}, {transform_indices = #map}, {transform_indices = #map}, {transform_indices = #map}]} {
    "tpu.region"() ({
      %run_scoped3A = tpu.sem_alloc : memref<!tpu.dma_semaphore, #tpu.memory_space<semaphore_mem>>
      %dma_start3A_178 = arith.constant 0 : i32
      %dma_start3A_179 = arith.constant 0 : i32
      %dma_start3A_180 = tpu.memref_slice %arg3[%arg1, %dma_start3A_178, %dma_start3A_179] : memref<16x158x128xi32, #tpu.memory_space<hbm>> -> memref<1x158x128xi32, #tpu.memory_space<hbm>>
      %dma_start3A_181 = tpu.memref_squeeze %dma_start3A_180 : memref<1x158x128xi32, #tpu.memory_space<hbm>> -> memref<158x128xi32, #tpu.memory_space<hbm>>
      %dma_start3A_182 = arith.constant 0 : i32
      %dma_start3A_183 = arith.constant 0 : i32
      %dma_start3A_184 = tpu.memref_slice %arg3[%arg1, %dma_start3A_182, %dma_start3A_183] : memref<16x158x128xi32, #tpu.memory_space<hbm>> -> memref<1x158x128xi32, #tpu.memory_space<hbm>>
      %dma_start3A_185 = tpu.memref_squeeze %dma_start3A_184 : memref<1x158x128xi32, #tpu.memory_space<hbm>> -> memref<158x128xi32, #tpu.memory_space<hbm>>
      tpu.enqueue_dma source(%dma_start3A_185 : memref<158x128xi32, #tpu.memory_space<hbm>>) target(%arg7 : memref<158x128xi32, #tpu.memory_space<vmem>>) target_semaphore(%run_scoped3A : memref<!tpu.dma_semaphore, #tpu.memory_space<semaphore_mem>>)
      %dma_wait3A_186 = arith.constant 0 : i32
      %dma_wait3A_187 = arith.constant 0 : i32
      %dma_wait3A_188 = tpu.memref_slice %arg3[%arg1, %dma_wait3A_186, %dma_wait3A_187] : memref<16x158x128xi32, #tpu.memory_space<hbm>> -> memref<1x158x128xi32, #tpu.memory_space<hbm>>
      %dma_wait3A_189 = tpu.memref_squeeze %dma_wait3A_188 : memref<1x158x128xi32, #tpu.memory_space<hbm>> -> memref<158x128xi32, #tpu.memory_space<hbm>>
      %dma_wait3A_190 = arith.constant 0 : i32
      %dma_wait3A_191 = arith.constant 0 : i32
      %dma_wait3A_192 = tpu.memref_slice %arg3[%arg1, %dma_wait3A_190, %dma_wait3A_191] : memref<16x158x128xi32, #tpu.memory_space<hbm>> -> memref<1x158x128xi32, #tpu.memory_space<hbm>>
      %dma_wait3A_193 = tpu.memref_squeeze %dma_wait3A_192 : memref<1x158x128xi32, #tpu.memory_space<hbm>> -> memref<158x128xi32, #tpu.memory_space<hbm>>
      tpu.wait_dma2 semaphore(%run_scoped3A : memref<!tpu.dma_semaphore, #tpu.memory_space<semaphore_mem>>) src(%dma_wait3A_193 : memref<158x128xi32, #tpu.memory_space<hbm>>) dst(%arg7 : memref<158x128xi32, #tpu.memory_space<vmem>>)
      tpu.yield
    }) : () -> ()
    "tpu.region"() ({
      %run_scoped3A = tpu.sem_alloc : memref<!tpu.dma_semaphore, #tpu.memory_space<semaphore_mem>>
      %dma_start3A_178 = arith.constant 0 : i32
      %dma_start3A_179 = arith.constant 0 : i32
      %dma_start3A_180 = tpu.memref_slice %arg4[%arg1, %dma_start3A_178, %dma_start3A_179] : memref<16x158x128xi32, #tpu.memory_space<hbm>> -> memref<1x158x128xi32, #tpu.memory_space<hbm>>
      %dma_start3A_181 = tpu.memref_squeeze %dma_start3A_180 : memref<1x158x128xi32, #tpu.memory_space<hbm>> -> memref<158x128xi32, #tpu.memory_space<hbm>>
      %dma_start3A_182 = arith.constant 0 : i32
      %dma_start3A_183 = arith.constant 0 : i32
      %dma_start3A_184 = tpu.memref_slice %arg4[%arg1, %dma_start3A_182, %dma_start3A_183] : memref<16x158x128xi32, #tpu.memory_space<hbm>> -> memref<1x158x128xi32, #tpu.memory_space<hbm>>
      %dma_start3A_185 = tpu.memref_squeeze %dma_start3A_184 : memref<1x158x128xi32, #tpu.memory_space<hbm>> -> memref<158x128xi32, #tpu.memory_space<hbm>>
      tpu.enqueue_dma source(%dma_start3A_185 : memref<158x128xi32, #tpu.memory_space<hbm>>) target(%arg8 : memref<158x128xi32, #tpu.memory_space<vmem>>) target_semaphore(%run_scoped3A : memref<!tpu.dma_semaphore, #tpu.memory_space<semaphore_mem>>)
      %dma_wait3A_186 = arith.constant 0 : i32
      %dma_wait3A_187 = arith.constant 0 : i32
      %dma_wait3A_188 = tpu.memref_slice %arg4[%arg1, %dma_wait3A_186, %dma_wait3A_187] : memref<16x158x128xi32, #tpu.memory_space<hbm>> -> memref<1x158x128xi32, #tpu.memory_space<hbm>>
      %dma_wait3A_189 = tpu.memref_squeeze %dma_wait3A_188 : memref<1x158x128xi32, #tpu.memory_space<hbm>> -> memref<158x128xi32, #tpu.memory_space<hbm>>
      %dma_wait3A_190 = arith.constant 0 : i32
      %dma_wait3A_191 = arith.constant 0 : i32
      %dma_wait3A_192 = tpu.memref_slice %arg4[%arg1, %dma_wait3A_190, %dma_wait3A_191] : memref<16x158x128xi32, #tpu.memory_space<hbm>> -> memref<1x158x128xi32, #tpu.memory_space<hbm>>
      %dma_wait3A_193 = tpu.memref_squeeze %dma_wait3A_192 : memref<1x158x128xi32, #tpu.memory_space<hbm>> -> memref<158x128xi32, #tpu.memory_space<hbm>>
      tpu.wait_dma2 semaphore(%run_scoped3A : memref<!tpu.dma_semaphore, #tpu.memory_space<semaphore_mem>>) src(%dma_wait3A_193 : memref<158x128xi32, #tpu.memory_space<hbm>>) dst(%arg8 : memref<158x128xi32, #tpu.memory_space<vmem>>)
      tpu.yield
    }) : () -> ()
    %dma_start3A = arith.constant 0 : i32
    %dma_start3A_0 = arith.constant 0 : i32
    %dma_start3A_1 = tpu.memref_slice %arg7[%dma_start3A, %dma_start3A_0] : memref<158x128xi32, #tpu.memory_space<vmem>> -> memref<1x128xi32, #tpu.memory_space<vmem>>
    %dma_start3A_2 = tpu.memref_squeeze %dma_start3A_1 : memref<1x128xi32, #tpu.memory_space<vmem>> -> memref<128xi32, #tpu.memory_space<vmem>>
    %dma_start3A_3 = arith.constant 0 : i32
    %dma_start3A_4 = arith.constant 0 : i32
    %dma_start3A_5 = tpu.memref_slice %arg2[%arg0, %dma_start3A_3, %dma_start3A_4] : memref<2x10000x64xf32, #tpu.memory_space<hbm>> -> memref<1x10000x64xf32, #tpu.memory_space<hbm>>
    %dma_start3A_6 = tpu.memref_squeeze %dma_start3A_5 : memref<1x10000x64xf32, #tpu.memory_space<hbm>> -> memref<10000x64xf32, #tpu.memory_space<hbm>>
    %dma_start3A_7 = arith.constant 0 : i32
    %dma_start3A_8 = arith.constant 0 : i32
    %dma_start3A_9 = tpu.memref_slice %dma_start3A_6[%dma_start3A_7, %dma_start3A_8] : memref<10000x64xf32, #tpu.memory_space<hbm>> -> memref<10000x64xf32, #tpu.memory_space<hbm>>
    tpu.enqueue_indirect_dma source(%dma_start3A_9 : memref<10000x64xf32, #tpu.memory_space<hbm>>) target(%arg9 : memref<128x64xf32, #tpu.memory_space<vmem>>) offsets(%dma_start3A_2 : memref<128xi32, #tpu.memory_space<vmem>>) semaphore(%arg16 : memref<!tpu.dma_semaphore, #tpu.memory_space<semaphore_mem>>)
    %dma_start3A_10 = arith.constant 1 : i32
    %dma_start3A_11 = arith.constant 0 : i32
    %dma_start3A_12 = tpu.memref_slice %arg7[%dma_start3A_10, %dma_start3A_11] : memref<158x128xi32, #tpu.memory_space<vmem>> -> memref<1x128xi32, #tpu.memory_space<vmem>>
    %dma_start3A_13 = tpu.memref_squeeze %dma_start3A_12 : memref<1x128xi32, #tpu.memory_space<vmem>> -> memref<128xi32, #tpu.memory_space<vmem>>
    %dma_start3A_14 = arith.constant 0 : i32
    %dma_start3A_15 = arith.constant 0 : i32
    %dma_start3A_16 = tpu.memref_slice %arg2[%arg0, %dma_start3A_14, %dma_start3A_15] : memref<2x10000x64xf32, #tpu.memory_space<hbm>> -> memref<1x10000x64xf32, #tpu.memory_space<hbm>>
    %dma_start3A_17 = tpu.memref_squeeze %dma_start3A_16 : memref<1x10000x64xf32, #tpu.memory_space<hbm>> -> memref<10000x64xf32, #tpu.memory_space<hbm>>
    %dma_start3A_18 = arith.constant 0 : i32
    %dma_start3A_19 = arith.constant 0 : i32
    %dma_start3A_20 = tpu.memref_slice %dma_start3A_17[%dma_start3A_18, %dma_start3A_19] : memref<10000x64xf32, #tpu.memory_space<hbm>> -> memref<10000x64xf32, #tpu.memory_space<hbm>>
    tpu.enqueue_indirect_dma source(%dma_start3A_20 : memref<10000x64xf32, #tpu.memory_space<hbm>>) target(%arg10 : memref<128x64xf32, #tpu.memory_space<vmem>>) offsets(%dma_start3A_13 : memref<128xi32, #tpu.memory_space<vmem>>) semaphore(%arg17 : memref<!tpu.dma_semaphore, #tpu.memory_space<semaphore_mem>>)
    %scan3A = arith.constant 0 : i32
    %scan3A_21 = arith.constant 0 : i32
    %scan3A_22 = arith.constant 128 : i32
    %scan3A_23 = arith.addi %scan3A_21, %scan3A_22 : i32
    %scan3A_24 = arith.constant 1 : i32
    scf.for %scan3A_178 = %scan3A_21 to %scan3A_23 step %scan3A_24  : i32 {
      %broadcast_in_dim3A = arith.constant 0.000000e+00 : f32
      %broadcast_in_dim3A_179 = vector.broadcast %broadcast_in_dim3A : f32 to vector<16xf32>
      %swap3A = arith.index_cast %scan3A_178 : i32 to index
      %swap3A_180 = arith.constant 0 : index
      %swap3A_181 = tpu.vector_load %arg11[%swap3A, %swap3A_180] {strides = array<i32>} : memref<128x64xf32, #tpu.memory_space<vmem>>, vector<1x16xf32>,
      %swap3A_182 = vector.shape_cast %swap3A_181 : vector<1x16xf32> to vector<16xf32>
      %swap3A_183 = vector.shape_cast %broadcast_in_dim3A_179 : vector<16xf32> to vector<1x16xf32>
      tpu.vector_store %arg11[%swap3A, %swap3A_180], %swap3A_183 {strides = array<i32>} : memref<128x64xf32, #tpu.memory_space<vmem>>, vector<1x16xf32>,
      %broadcast_in_dim3A_184 = arith.constant 0.000000e+00 : f32
      %broadcast_in_dim3A_185 = vector.broadcast %broadcast_in_dim3A_184 : f32 to vector<16xf32>
      %swap3A_186 = arith.index_cast %scan3A_178 : i32 to index
      %swap3A_187 = arith.constant 16 : index
      %swap3A_188 = tpu.vector_load %arg11[%swap3A_186, %swap3A_187] {strides = array<i32>} : memref<128x64xf32, #tpu.memory_space<vmem>>, vector<1x16xf32>,
      %swap3A_189 = vector.shape_cast %swap3A_188 : vector<1x16xf32> to vector<16xf32>
      %swap3A_190 = vector.shape_cast %broadcast_in_dim3A_185 : vector<16xf32> to vector<1x16xf32>
      tpu.vector_store %arg11[%swap3A_186, %swap3A_187], %swap3A_190 {strides = array<i32>} : memref<128x64xf32, #tpu.memory_space<vmem>>, vector<1x16xf32>,
      %broadcast_in_dim3A_191 = arith.constant 0.000000e+00 : f32
      %broadcast_in_dim3A_192 = vector.broadcast %broadcast_in_dim3A_191 : f32 to vector<16xf32>
      %swap3A_193 = arith.index_cast %scan3A_178 : i32 to index
      %swap3A_194 = arith.constant 32 : index
      %swap3A_195 = tpu.vector_load %arg11[%swap3A_193, %swap3A_194] {strides = array<i32>} : memref<128x64xf32, #tpu.memory_space<vmem>>, vector<1x16xf32>,
      %swap3A_196 = vector.shape_cast %swap3A_195 : vector<1x16xf32> to vector<16xf32>
      %swap3A_197 = vector.shape_cast %broadcast_in_dim3A_192 : vector<16xf32> to vector<1x16xf32>
      tpu.vector_store %arg11[%swap3A_193, %swap3A_194], %swap3A_197 {strides = array<i32>} : memref<128x64xf32, #tpu.memory_space<vmem>>, vector<1x16xf32>,
      %broadcast_in_dim3A_198 = arith.constant 0.000000e+00 : f32
      %broadcast_in_dim3A_199 = vector.broadcast %broadcast_in_dim3A_198 : f32 to vector<16xf32>
      %swap3A_200 = arith.index_cast %scan3A_178 : i32 to index
      %swap3A_201 = arith.constant 48 : index
      %swap3A_202 = tpu.vector_load %arg11[%swap3A_200, %swap3A_201] {strides = array<i32>} : memref<128x64xf32, #tpu.memory_space<vmem>>, vector<1x16xf32>,
      %swap3A_203 = vector.shape_cast %swap3A_202 : vector<1x16xf32> to vector<16xf32>
      %swap3A_204 = vector.shape_cast %broadcast_in_dim3A_199 : vector<16xf32> to vector<1x16xf32>
      tpu.vector_store %arg11[%swap3A_200, %swap3A_201], %swap3A_204 {strides = array<i32>} : memref<128x64xf32, #tpu.memory_space<vmem>>, vector<1x16xf32>,
      %broadcast_in_dim3A_205 = arith.constant 0.000000e+00 : f32
      %broadcast_in_dim3A_206 = vector.broadcast %broadcast_in_dim3A_205 : f32 to vector<16xf32>
      %swap3A_207 = arith.index_cast %scan3A_178 : i32 to index
      %swap3A_208 = arith.constant 0 : index
      %swap3A_209 = tpu.vector_load %arg12[%swap3A_207, %swap3A_208] {strides = array<i32>} : memref<128x16xf32, #tpu.memory_space<vmem>>, vector<1x16xf32>,
      %swap3A_210 = vector.shape_cast %swap3A_209 : vector<1x16xf32> to vector<16xf32>
      %swap3A_211 = vector.shape_cast %broadcast_in_dim3A_206 : vector<16xf32> to vector<1x16xf32>
      tpu.vector_store %arg12[%swap3A_207, %swap3A_208], %swap3A_211 {strides = array<i32>} : memref<128x16xf32, #tpu.memory_space<vmem>>, vector<1x16xf32>,
      %broadcast_in_dim3A_212 = arith.constant 1.000000e+00 : f32
      %broadcast_in_dim3A_213 = vector.broadcast %broadcast_in_dim3A_212 : f32 to vector<16xf32>
      %swap3A_214 = arith.index_cast %scan3A_178 : i32 to index
      %swap3A_215 = arith.constant 0 : index
      %swap3A_216 = tpu.vector_load %arg13[%swap3A_214, %swap3A_215] {strides = array<i32>} : memref<128x16xf32, #tpu.memory_space<vmem>>, vector<1x16xf32>,
      %swap3A_217 = vector.shape_cast %swap3A_216 : vector<1x16xf32> to vector<16xf32>
      %swap3A_218 = vector.shape_cast %broadcast_in_dim3A_213 : vector<16xf32> to vector<1x16xf32>
      tpu.vector_store %arg13[%swap3A_214, %swap3A_215], %swap3A_218 {strides = array<i32>} : memref<128x16xf32, #tpu.memory_space<vmem>>, vector<1x16xf32>,
    }
    %scan3A_25 = arith.constant 128 : i32
    %mul3A = arith.constant 632 : i32
    %mul3A_26 = arith.muli %arg1, %mul3A : i32
    %add3A = arith.constant 0 : i32
    %add3A_27 = arith.addi %mul3A_26, %add3A : i32
    %dma_start3A_28 = arith.constant 0 : i32
    %dma_start3A_29 = tpu.memref_slice %arg14[%add3A_27, %dma_start3A_28] : memref<10112x64xf32, #tpu.memory_space<vmem_shared>> -> memref<128x64xf32, #tpu.memory_space<vmem_shared>>
    %dma_start3A_30 = arith.constant 0 : i32
    %dma_start3A_31 = tpu.memref_slice %arg14[%add3A_27, %dma_start3A_30] : memref<10112x64xf32, #tpu.memory_space<vmem_shared>> -> memref<128x64xf32, #tpu.memory_space<vmem_shared>>
    tpu.enqueue_dma source(%arg11 : memref<128x64xf32, #tpu.memory_space<vmem>>) target(%dma_start3A_31 : memref<128x64xf32, #tpu.memory_space<vmem_shared>>) target_semaphore(%arg18 : memref<!tpu.dma_semaphore, #tpu.memory_space<semaphore_mem>>)
    %add3A_32 = arith.constant 0 : i32
    %add3A_33 = arith.addi %mul3A_26, %add3A_32 : i32
    %dma_start3A_34 = arith.constant 0 : i32
    %dma_start3A_35 = tpu.memref_slice %arg15[%add3A_33, %dma_start3A_34] : memref<10112x16xf32, #tpu.memory_space<vmem_shared>> -> memref<128x16xf32, #tpu.memory_space<vmem_shared>>
    %dma_start3A_36 = arith.constant 0 : i32
    %dma_start3A_37 = tpu.memref_slice %arg15[%add3A_33, %dma_start3A_36] : memref<10112x16xf32, #tpu.memory_space<vmem_shared>> -> memref<128x16xf32, #tpu.memory_space<vmem_shared>>
    tpu.enqueue_dma source(%arg12 : memref<128x16xf32, #tpu.memory_space<vmem>>) target(%dma_start3A_37 : memref<128x16xf32, #tpu.memory_space<vmem_shared>>) target_semaphore(%arg18 : memref<!tpu.dma_semaphore, #tpu.memory_space<semaphore_mem>>)
    %add3A_38 = arith.constant 128 : i32
    %add3A_39 = arith.addi %mul3A_26, %add3A_38 : i32
    %dma_start3A_40 = arith.constant 0 : i32
    %dma_start3A_41 = tpu.memref_slice %arg14[%add3A_39, %dma_start3A_40] : memref<10112x64xf32, #tpu.memory_space<vmem_shared>> -> memref<128x64xf32, #tpu.memory_space<vmem_shared>>
    %dma_start3A_42 = arith.constant 0 : i32
    %dma_start3A_43 = tpu.memref_slice %arg14[%add3A_39, %dma_start3A_42] : memref<10112x64xf32, #tpu.memory_space<vmem_shared>> -> memref<128x64xf32, #tpu.memory_space<vmem_shared>>
    tpu.enqueue_dma source(%arg11 : memref<128x64xf32, #tpu.memory_space<vmem>>) target(%dma_start3A_43 : memref<128x64xf32, #tpu.memory_space<vmem_shared>>) target_semaphore(%arg18 : memref<!tpu.dma_semaphore, #tpu.memory_space<semaphore_mem>>)
    %add3A_44 = arith.constant 128 : i32
    %add3A_45 = arith.addi %mul3A_26, %add3A_44 : i32
    %dma_start3A_46 = arith.constant 0 : i32
    %dma_start3A_47 = tpu.memref_slice %arg15[%add3A_45, %dma_start3A_46] : memref<10112x16xf32, #tpu.memory_space<vmem_shared>> -> memref<128x16xf32, #tpu.memory_space<vmem_shared>>
    %dma_start3A_48 = arith.constant 0 : i32
    %dma_start3A_49 = tpu.memref_slice %arg15[%add3A_45, %dma_start3A_48] : memref<10112x16xf32, #tpu.memory_space<vmem_shared>> -> memref<128x16xf32, #tpu.memory_space<vmem_shared>>
    tpu.enqueue_dma source(%arg12 : memref<128x16xf32, #tpu.memory_space<vmem>>) target(%dma_start3A_49 : memref<128x16xf32, #tpu.memory_space<vmem_shared>>) target_semaphore(%arg18 : memref<!tpu.dma_semaphore, #tpu.memory_space<semaphore_mem>>)
    %add3A_50 = arith.constant 256 : i32
    %add3A_51 = arith.addi %mul3A_26, %add3A_50 : i32
    %dma_start3A_52 = arith.constant 0 : i32
    %dma_start3A_53 = tpu.memref_slice %arg14[%add3A_51, %dma_start3A_52] : memref<10112x64xf32, #tpu.memory_space<vmem_shared>> -> memref<128x64xf32, #tpu.memory_space<vmem_shared>>
    %dma_start3A_54 = arith.constant 0 : i32
    %dma_start3A_55 = tpu.memref_slice %arg14[%add3A_51, %dma_start3A_54] : memref<10112x64xf32, #tpu.memory_space<vmem_shared>> -> memref<128x64xf32, #tpu.memory_space<vmem_shared>>
    tpu.enqueue_dma source(%arg11 : memref<128x64xf32, #tpu.memory_space<vmem>>) target(%dma_start3A_55 : memref<128x64xf32, #tpu.memory_space<vmem_shared>>) target_semaphore(%arg18 : memref<!tpu.dma_semaphore, #tpu.memory_space<semaphore_mem>>)
    %add3A_56 = arith.constant 256 : i32
    %add3A_57 = arith.addi %mul3A_26, %add3A_56 : i32
    %dma_start3A_58 = arith.constant 0 : i32
    %dma_start3A_59 = tpu.memref_slice %arg15[%add3A_57, %dma_start3A_58] : memref<10112x16xf32, #tpu.memory_space<vmem_shared>> -> memref<128x16xf32, #tpu.memory_space<vmem_shared>>
    %dma_start3A_60 = arith.constant 0 : i32
    %dma_start3A_61 = tpu.memref_slice %arg15[%add3A_57, %dma_start3A_60] : memref<10112x16xf32, #tpu.memory_space<vmem_shared>> -> memref<128x16xf32, #tpu.memory_space<vmem_shared>>
    tpu.enqueue_dma source(%arg12 : memref<128x16xf32, #tpu.memory_space<vmem>>) target(%dma_start3A_61 : memref<128x16xf32, #tpu.memory_space<vmem_shared>>) target_semaphore(%arg18 : memref<!tpu.dma_semaphore, #tpu.memory_space<semaphore_mem>>)
    %add3A_62 = arith.constant 384 : i32
    %add3A_63 = arith.addi %mul3A_26, %add3A_62 : i32
    %dma_start3A_64 = arith.constant 0 : i32
    %dma_start3A_65 = tpu.memref_slice %arg14[%add3A_63, %dma_start3A_64] : memref<10112x64xf32, #tpu.memory_space<vmem_shared>> -> memref<128x64xf32, #tpu.memory_space<vmem_shared>>
    %dma_start3A_66 = arith.constant 0 : i32
    %dma_start3A_67 = tpu.memref_slice %arg14[%add3A_63, %dma_start3A_66] : memref<10112x64xf32, #tpu.memory_space<vmem_shared>> -> memref<128x64xf32, #tpu.memory_space<vmem_shared>>
    tpu.enqueue_dma source(%arg11 : memref<128x64xf32, #tpu.memory_space<vmem>>) target(%dma_start3A_67 : memref<128x64xf32, #tpu.memory_space<vmem_shared>>) target_semaphore(%arg18 : memref<!tpu.dma_semaphore, #tpu.memory_space<semaphore_mem>>)
    %add3A_68 = arith.constant 384 : i32
    %add3A_69 = arith.addi %mul3A_26, %add3A_68 : i32
    %dma_start3A_70 = arith.constant 0 : i32
    %dma_start3A_71 = tpu.memref_slice %arg15[%add3A_69, %dma_start3A_70] : memref<10112x16xf32, #tpu.memory_space<vmem_shared>> -> memref<128x16xf32, #tpu.memory_space<vmem_shared>>
    %dma_start3A_72 = arith.constant 0 : i32
    %dma_start3A_73 = tpu.memref_slice %arg15[%add3A_69, %dma_start3A_72] : memref<10112x16xf32, #tpu.memory_space<vmem_shared>> -> memref<128x16xf32, #tpu.memory_space<vmem_shared>>
    tpu.enqueue_dma source(%arg12 : memref<128x16xf32, #tpu.memory_space<vmem>>) target(%dma_start3A_73 : memref<128x16xf32, #tpu.memory_space<vmem_shared>>) target_semaphore(%arg18 : memref<!tpu.dma_semaphore, #tpu.memory_space<semaphore_mem>>)
    %add3A_74 = arith.constant 512 : i32
    %add3A_75 = arith.addi %mul3A_26, %add3A_74 : i32
    %dma_start3A_76 = arith.constant 0 : i32
    %dma_start3A_77 = arith.constant 0 : i32
    %dma_start3A_78 = tpu.memref_slice %arg11[%dma_start3A_76, %dma_start3A_77] : memref<128x64xf32, #tpu.memory_space<vmem>> -> memref<120x64xf32, #tpu.memory_space<vmem>>
    %dma_start3A_79 = arith.constant 0 : i32
    %dma_start3A_80 = tpu.memref_slice %arg14[%add3A_75, %dma_start3A_79] : memref<10112x64xf32, #tpu.memory_space<vmem_shared>> -> memref<120x64xf32, #tpu.memory_space<vmem_shared>>
    %dma_start3A_81 = arith.constant 0 : i32
    %dma_start3A_82 = tpu.memref_slice %arg14[%add3A_75, %dma_start3A_81] : memref<10112x64xf32, #tpu.memory_space<vmem_shared>> -> memref<120x64xf32, #tpu.memory_space<vmem_shared>>
    %dma_start3A_83 = arith.constant 0 : i32
    %dma_start3A_84 = arith.constant 0 : i32
    %dma_start3A_85 = tpu.memref_slice %arg11[%dma_start3A_83, %dma_start3A_84] : memref<128x64xf32, #tpu.memory_space<vmem>> -> memref<120x64xf32, #tpu.memory_space<vmem>>
    tpu.enqueue_dma source(%dma_start3A_85 : memref<120x64xf32, #tpu.memory_space<vmem>>) target(%dma_start3A_82 : memref<120x64xf32, #tpu.memory_space<vmem_shared>>) target_semaphore(%arg18 : memref<!tpu.dma_semaphore, #tpu.memory_space<semaphore_mem>>)
    %add3A_86 = arith.constant 512 : i32
    %add3A_87 = arith.addi %mul3A_26, %add3A_86 : i32
    %dma_start3A_88 = arith.constant 0 : i32
    %dma_start3A_89 = arith.constant 0 : i32
    %dma_start3A_90 = tpu.memref_slice %arg12[%dma_start3A_88, %dma_start3A_89] : memref<128x16xf32, #tpu.memory_space<vmem>> -> memref<120x16xf32, #tpu.memory_space<vmem>>
    %dma_start3A_91 = arith.constant 0 : i32
    %dma_start3A_92 = tpu.memref_slice %arg15[%add3A_87, %dma_start3A_91] : memref<10112x16xf32, #tpu.memory_space<vmem_shared>> -> memref<120x16xf32, #tpu.memory_space<vmem_shared>>
    %dma_start3A_93 = arith.constant 0 : i32
    %dma_start3A_94 = tpu.memref_slice %arg15[%add3A_87, %dma_start3A_93] : memref<10112x16xf32, #tpu.memory_space<vmem_shared>> -> memref<120x16xf32, #tpu.memory_space<vmem_shared>>
    %dma_start3A_95 = arith.constant 0 : i32
    %dma_start3A_96 = arith.constant 0 : i32
    %dma_start3A_97 = tpu.memref_slice %arg12[%dma_start3A_95, %dma_start3A_96] : memref<128x16xf32, #tpu.memory_space<vmem>> -> memref<120x16xf32, #tpu.memory_space<vmem>>
    tpu.enqueue_dma source(%dma_start3A_97 : memref<120x16xf32, #tpu.memory_space<vmem>>) target(%dma_start3A_94 : memref<120x16xf32, #tpu.memory_space<vmem_shared>>) target_semaphore(%arg18 : memref<!tpu.dma_semaphore, #tpu.memory_space<semaphore_mem>>)
    %dma_wait3A = arith.constant 0 : i32
    %dma_wait3A_98 = tpu.memref_slice %arg14[%add3A_27, %dma_wait3A] : memref<10112x64xf32, #tpu.memory_space<vmem_shared>> -> memref<128x64xf32, #tpu.memory_space<vmem_shared>>
    %dma_wait3A_99 = arith.constant 0 : i32
    %dma_wait3A_100 = tpu.memref_slice %arg14[%add3A_27, %dma_wait3A_99] : memref<10112x64xf32, #tpu.memory_space<vmem_shared>> -> memref<128x64xf32, #tpu.memory_space<vmem_shared>>
    tpu.wait_dma2 semaphore(%arg18 : memref<!tpu.dma_semaphore, #tpu.memory_space<semaphore_mem>>) src(%arg11 : memref<128x64xf32, #tpu.memory_space<vmem>>) dst(%dma_wait3A_100 : memref<128x64xf32, #tpu.memory_space<vmem_shared>>)
    %dma_wait3A_101 = arith.constant 0 : i32
    %dma_wait3A_102 = tpu.memref_slice %arg15[%add3A_33, %dma_wait3A_101] : memref<10112x16xf32, #tpu.memory_space<vmem_shared>> -> memref<128x16xf32, #tpu.memory_space<vmem_shared>>
    %dma_wait3A_103 = arith.constant 0 : i32
    %dma_wait3A_104 = tpu.memref_slice %arg15[%add3A_33, %dma_wait3A_103] : memref<10112x16xf32, #tpu.memory_space<vmem_shared>> -> memref<128x16xf32, #tpu.memory_space<vmem_shared>>
    tpu.wait_dma2 semaphore(%arg18 : memref<!tpu.dma_semaphore, #tpu.memory_space<semaphore_mem>>) src(%arg12 : memref<128x16xf32, #tpu.memory_space<vmem>>) dst(%dma_wait3A_104 : memref<128x16xf32, #tpu.memory_space<vmem_shared>>)
    %dma_wait3A_105 = arith.constant 0 : i32
    %dma_wait3A_106 = tpu.memref_slice %arg14[%add3A_39, %dma_wait3A_105] : memref<10112x64xf32, #tpu.memory_space<vmem_shared>> -> memref<128x64xf32, #tpu.memory_space<vmem_shared>>
    %dma_wait3A_107 = arith.constant 0 : i32
    %dma_wait3A_108 = tpu.memref_slice %arg14[%add3A_39, %dma_wait3A_107] : memref<10112x64xf32, #tpu.memory_space<vmem_shared>> -> memref<128x64xf32, #tpu.memory_space<vmem_shared>>
    tpu.wait_dma2 semaphore(%arg18 : memref<!tpu.dma_semaphore, #tpu.memory_space<semaphore_mem>>) src(%arg11 : memref<128x64xf32, #tpu.memory_space<vmem>>) dst(%dma_wait3A_108 : memref<128x64xf32, #tpu.memory_space<vmem_shared>>)
    %dma_wait3A_109 = arith.constant 0 : i32
    %dma_wait3A_110 = tpu.memref_slice %arg15[%add3A_45, %dma_wait3A_109] : memref<10112x16xf32, #tpu.memory_space<vmem_shared>> -> memref<128x16xf32, #tpu.memory_space<vmem_shared>>
    %dma_wait3A_111 = arith.constant 0 : i32
    %dma_wait3A_112 = tpu.memref_slice %arg15[%add3A_45, %dma_wait3A_111] : memref<10112x16xf32, #tpu.memory_space<vmem_shared>> -> memref<128x16xf32, #tpu.memory_space<vmem_shared>>
    tpu.wait_dma2 semaphore(%arg18 : memref<!tpu.dma_semaphore, #tpu.memory_space<semaphore_mem>>) src(%arg12 : memref<128x16xf32, #tpu.memory_space<vmem>>) dst(%dma_wait3A_112 : memref<128x16xf32, #tpu.memory_space<vmem_shared>>)
    %dma_wait3A_113 = arith.constant 0 : i32
    %dma_wait3A_114 = tpu.memref_slice %arg14[%add3A_51, %dma_wait3A_113] : memref<10112x64xf32, #tpu.memory_space<vmem_shared>> -> memref<128x64xf32, #tpu.memory_space<vmem_shared>>
    %dma_wait3A_115 = arith.constant 0 : i32
    %dma_wait3A_116 = tpu.memref_slice %arg14[%add3A_51, %dma_wait3A_115] : memref<10112x64xf32, #tpu.memory_space<vmem_shared>> -> memref<128x64xf32, #tpu.memory_space<vmem_shared>>
    tpu.wait_dma2 semaphore(%arg18 : memref<!tpu.dma_semaphore, #tpu.memory_space<semaphore_mem>>) src(%arg11 : memref<128x64xf32, #tpu.memory_space<vmem>>) dst(%dma_wait3A_116 : memref<128x64xf32, #tpu.memory_space<vmem_shared>>)
    %dma_wait3A_117 = arith.constant 0 : i32
    %dma_wait3A_118 = tpu.memref_slice %arg15[%add3A_57, %dma_wait3A_117] : memref<10112x16xf32, #tpu.memory_space<vmem_shared>> -> memref<128x16xf32, #tpu.memory_space<vmem_shared>>
    %dma_wait3A_119 = arith.constant 0 : i32
    %dma_wait3A_120 = tpu.memref_slice %arg15[%add3A_57, %dma_wait3A_119] : memref<10112x16xf32, #tpu.memory_space<vmem_shared>> -> memref<128x16xf32, #tpu.memory_space<vmem_shared>>
    tpu.wait_dma2 semaphore(%arg18 : memref<!tpu.dma_semaphore, #tpu.memory_space<semaphore_mem>>) src(%arg12 : memref<128x16xf32, #tpu.memory_space<vmem>>) dst(%dma_wait3A_120 : memref<128x16xf32, #tpu.memory_space<vmem_shared>>)
    %dma_wait3A_121 = arith.constant 0 : i32
    %dma_wait3A_122 = tpu.memref_slice %arg14[%add3A_63, %dma_wait3A_121] : memref<10112x64xf32, #tpu.memory_space<vmem_shared>> -> memref<128x64xf32, #tpu.memory_space<vmem_shared>>
    %dma_wait3A_123 = arith.constant 0 : i32
    %dma_wait3A_124 = tpu.memref_slice %arg14[%add3A_63, %dma_wait3A_123] : memref<10112x64xf32, #tpu.memory_space<vmem_shared>> -> memref<128x64xf32, #tpu.memory_space<vmem_shared>>
    tpu.wait_dma2 semaphore(%arg18 : memref<!tpu.dma_semaphore, #tpu.memory_space<semaphore_mem>>) src(%arg11 : memref<128x64xf32, #tpu.memory_space<vmem>>) dst(%dma_wait3A_124 : memref<128x64xf32, #tpu.memory_space<vmem_shared>>)
    %dma_wait3A_125 = arith.constant 0 : i32
    %dma_wait3A_126 = tpu.memref_slice %arg15[%add3A_69, %dma_wait3A_125] : memref<10112x16xf32, #tpu.memory_space<vmem_shared>> -> memref<128x16xf32, #tpu.memory_space<vmem_shared>>
    %dma_wait3A_127 = arith.constant 0 : i32
    %dma_wait3A_128 = tpu.memref_slice %arg15[%add3A_69, %dma_wait3A_127] : memref<10112x16xf32, #tpu.memory_space<vmem_shared>> -> memref<128x16xf32, #tpu.memory_space<vmem_shared>>
    tpu.wait_dma2 semaphore(%arg18 : memref<!tpu.dma_semaphore, #tpu.memory_space<semaphore_mem>>) src(%arg12 : memref<128x16xf32, #tpu.memory_space<vmem>>) dst(%dma_wait3A_128 : memref<128x16xf32, #tpu.memory_space<vmem_shared>>)
    %dma_wait3A_129 = arith.constant 0 : i32
    %dma_wait3A_130 = arith.constant 0 : i32
    %dma_wait3A_131 = tpu.memref_slice %arg11[%dma_wait3A_129, %dma_wait3A_130] : memref<128x64xf32, #tpu.memory_space<vmem>> -> memref<120x64xf32, #tpu.memory_space<vmem>>
    %dma_wait3A_132 = arith.constant 0 : i32
    %dma_wait3A_133 = tpu.memref_slice %arg14[%add3A_75, %dma_wait3A_132] : memref<10112x64xf32, #tpu.memory_space<vmem_shared>> -> memref<120x64xf32, #tpu.memory_space<vmem_shared>>
    %dma_wait3A_134 = arith.constant 0 : i32
    %dma_wait3A_135 = tpu.memref_slice %arg14[%add3A_75, %dma_wait3A_134] : memref<10112x64xf32, #tpu.memory_space<vmem_shared>> -> memref<120x64xf32, #tpu.memory_space<vmem_shared>>
    %dma_wait3A_136 = arith.constant 0 : i32
    %dma_wait3A_137 = arith.constant 0 : i32
    %dma_wait3A_138 = tpu.memref_slice %arg11[%dma_wait3A_136, %dma_wait3A_137] : memref<128x64xf32, #tpu.memory_space<vmem>> -> memref<120x64xf32, #tpu.memory_space<vmem>>
    tpu.wait_dma2 semaphore(%arg18 : memref<!tpu.dma_semaphore, #tpu.memory_space<semaphore_mem>>) src(%dma_wait3A_138 : memref<120x64xf32, #tpu.memory_space<vmem>>) dst(%dma_wait3A_135 : memref<120x64xf32, #tpu.memory_space<vmem_shared>>)
    %dma_wait3A_139 = arith.constant 0 : i32
    %dma_wait3A_140 = arith.constant 0 : i32
    %dma_wait3A_141 = tpu.memref_slice %arg12[%dma_wait3A_139, %dma_wait3A_140] : memref<128x16xf32, #tpu.memory_space<vmem>> -> memref<120x16xf32, #tpu.memory_space<vmem>>
    %dma_wait3A_142 = arith.constant 0 : i32
    %dma_wait3A_143 = tpu.memref_slice %arg15[%add3A_87, %dma_wait3A_142] : memref<10112x16xf32, #tpu.memory_space<vmem_shared>> -> memref<120x16xf32, #tpu.memory_space<vmem_shared>>
    %dma_wait3A_144 = arith.constant 0 : i32
    %dma_wait3A_145 = tpu.memref_slice %arg15[%add3A_87, %dma_wait3A_144] : memref<10112x16xf32, #tpu.memory_space<vmem_shared>> -> memref<120x16xf32, #tpu.memory_space<vmem_shared>>
    %dma_wait3A_146 = arith.constant 0 : i32
    %dma_wait3A_147 = arith.constant 0 : i32
    %dma_wait3A_148 = tpu.memref_slice %arg12[%dma_wait3A_146, %dma_wait3A_147] : memref<128x16xf32, #tpu.memory_space<vmem>> -> memref<120x16xf32, #tpu.memory_space<vmem>>
    tpu.wait_dma2 semaphore(%arg18 : memref<!tpu.dma_semaphore, #tpu.memory_space<semaphore_mem>>) src(%dma_wait3A_148 : memref<120x16xf32, #tpu.memory_space<vmem>>) dst(%dma_wait3A_145 : memref<120x16xf32, #tpu.memory_space<vmem_shared>>)
    %barrier3A = arith.constant 0 : index
    tpu.barrier barrier_id(%barrier3A)
    %scan3A_149 = arith.constant 0 : i32
    %scan3A_150 = arith.constant 0 : i32
    %scan3A_151 = arith.constant 79 : i32
    %scan3A_152 = arith.addi %scan3A_150, %scan3A_151 : i32
    %scan3A_153 = arith.constant 1 : i32
    scf.for %scan3A_178 = %scan3A_150 to %scan3A_152 step %scan3A_153  : i32 {
      %mul3A_179 = arith.constant 2 : i32
      %mul3A_180 = arith.muli %scan3A_178, %mul3A_179 : i32
      %add3A_181 = arith.constant 0 : i32
      %add3A_182 = arith.addi %mul3A_180, %add3A_181 : i32
      %dma_wait3A_183 = arith.constant 0 : i32
      %dma_wait3A_184 = tpu.memref_slice %arg7[%add3A_182, %dma_wait3A_183] : memref<158x128xi32, #tpu.memory_space<vmem>> -> memref<1x128xi32, #tpu.memory_space<vmem>>
      %dma_wait3A_185 = tpu.memref_squeeze %dma_wait3A_184 : memref<1x128xi32, #tpu.memory_space<vmem>> -> memref<128xi32, #tpu.memory_space<vmem>>
      %dma_wait3A_186 = arith.constant 0 : i32
      %dma_wait3A_187 = arith.constant 0 : i32
      %dma_wait3A_188 = tpu.memref_slice %arg2[%arg0, %dma_wait3A_186, %dma_wait3A_187] : memref<2x10000x64xf32, #tpu.memory_space<hbm>> -> memref<1x10000x64xf32, #tpu.memory_space<hbm>>
      %dma_wait3A_189 = tpu.memref_squeeze %dma_wait3A_188 : memref<1x10000x64xf32, #tpu.memory_space<hbm>> -> memref<10000x64xf32, #tpu.memory_space<hbm>>
      %dma_wait3A_190 = arith.constant 0 : i32
      %dma_wait3A_191 = arith.constant 0 : i32
      %dma_wait3A_192 = tpu.memref_slice %dma_wait3A_189[%dma_wait3A_190, %dma_wait3A_191] : memref<10000x64xf32, #tpu.memory_space<hbm>> -> memref<10000x64xf32, #tpu.memory_space<hbm>>
      tpu.wait_indirect_dma semaphore(%arg16 : memref<!tpu.dma_semaphore, #tpu.memory_space<semaphore_mem>>) src(%dma_wait3A_192 : memref<10000x64xf32, #tpu.memory_space<hbm>>) dst(%arg9 : memref<128x64xf32, #tpu.memory_space<vmem>>)
      "tpu.region"() ({
        %run_scoped3A = tpu.sem_alloc : memref<!tpu.dma_semaphore, #tpu.memory_space<semaphore_mem>>
        %dma_start3A_233 = arith.constant 0 : i32
        %dma_start3A_234 = tpu.memref_slice %arg8[%add3A_182, %dma_start3A_233] : memref<158x128xi32, #tpu.memory_space<vmem>> -> memref<1x128xi32, #tpu.memory_space<vmem>>
        %dma_start3A_235 = tpu.memref_squeeze %dma_start3A_234 : memref<1x128xi32, #tpu.memory_space<vmem>> -> memref<128xi32, #tpu.memory_space<vmem>>
        %dma_start3A_236 = arith.constant 0 : i32
        %dma_start3A_237 = arith.constant 0 : i32
        %dma_start3A_238 = tpu.memref_slice %arg14[%dma_start3A_236, %dma_start3A_237] : memref<10112x64xf32, #tpu.memory_space<vmem_shared>> -> memref<10112x64xf32, #tpu.memory_space<vmem_shared>>
        tpu.enqueue_indirect_dma source(%arg9 : memref<128x64xf32, #tpu.memory_space<vmem>>) target(%dma_start3A_238 : memref<10112x64xf32, #tpu.memory_space<vmem_shared>>) offsets(%dma_start3A_235 : memref<128xi32, #tpu.memory_space<vmem>>) semaphore(%run_scoped3A : memref<!tpu.dma_semaphore, #tpu.memory_space<semaphore_mem>>) {add = true}
        %dma_wait3A_239 = arith.constant 0 : i32
        %dma_wait3A_240 = tpu.memref_slice %arg8[%add3A_182, %dma_wait3A_239] : memref<158x128xi32, #tpu.memory_space<vmem>> -> memref<1x128xi32, #tpu.memory_space<vmem>>
        %dma_wait3A_241 = tpu.memref_squeeze %dma_wait3A_240 : memref<1x128xi32, #tpu.memory_space<vmem>> -> memref<128xi32, #tpu.memory_space<vmem>>
        %dma_wait3A_242 = arith.constant 0 : i32
        %dma_wait3A_243 = arith.constant 0 : i32
        %dma_wait3A_244 = tpu.memref_slice %arg14[%dma_wait3A_242, %dma_wait3A_243] : memref<10112x64xf32, #tpu.memory_space<vmem_shared>> -> memref<10112x64xf32, #tpu.memory_space<vmem_shared>>
        tpu.wait_indirect_dma semaphore(%run_scoped3A : memref<!tpu.dma_semaphore, #tpu.memory_space<semaphore_mem>>) src(%arg9 : memref<128x64xf32, #tpu.memory_space<vmem>>) dst(%dma_wait3A_244 : memref<10112x64xf32, #tpu.memory_space<vmem_shared>>)
        tpu.yield
      }) : () -> ()
      %eq3A = arith.constant 0 : i32
      %eq3A_193 = arith.cmpi eq, %arg0, %eq3A : i32
      %lt3A = arith.constant 79 : i32
      %lt3A_194 = arith.cmpi slt, %add3A_182, %lt3A : i32
      %ge3A = arith.constant 79 : i32
      %ge3A_195 = arith.cmpi sge, %add3A_182, %ge3A : i32
      %select_n3A = arith.select %eq3A_193, %lt3A_194, %ge3A_195 : i1
      %convert_element_type3A = arith.extui %select_n3A : i1 to i32
      %cond3A = arith.constant 0 : i32
      %cond3A_196 = arith.cmpi ne, %convert_element_type3A, %cond3A : i32
      scf.if %cond3A_196 {
        "tpu.region"() ({
          %run_scoped3A = tpu.sem_alloc : memref<!tpu.dma_semaphore, #tpu.memory_space<semaphore_mem>>
          %dma_start3A_233 = arith.constant 0 : i32
          %dma_start3A_234 = tpu.memref_slice %arg8[%add3A_182, %dma_start3A_233] : memref<158x128xi32, #tpu.memory_space<vmem>> -> memref<1x128xi32, #tpu.memory_space<vmem>>
          %dma_start3A_235 = tpu.memref_squeeze %dma_start3A_234 : memref<1x128xi32, #tpu.memory_space<vmem>> -> memref<128xi32, #tpu.memory_space<vmem>>
          %dma_start3A_236 = arith.constant 0 : i32
          %dma_start3A_237 = arith.constant 0 : i32
          %dma_start3A_238 = tpu.memref_slice %arg15[%dma_start3A_236, %dma_start3A_237] : memref<10112x16xf32, #tpu.memory_space<vmem_shared>> -> memref<10112x16xf32, #tpu.memory_space<vmem_shared>>
          tpu.enqueue_indirect_dma source(%arg13 : memref<128x16xf32, #tpu.memory_space<vmem>>) target(%dma_start3A_238 : memref<10112x16xf32, #tpu.memory_space<vmem_shared>>) offsets(%dma_start3A_235 : memref<128xi32, #tpu.memory_space<vmem>>) semaphore(%run_scoped3A : memref<!tpu.dma_semaphore, #tpu.memory_space<semaphore_mem>>) {add = true}
          %dma_wait3A_239 = arith.constant 0 : i32
          %dma_wait3A_240 = tpu.memref_slice %arg8[%add3A_182, %dma_wait3A_239] : memref<158x128xi32, #tpu.memory_space<vmem>> -> memref<1x128xi32, #tpu.memory_space<vmem>>
          %dma_wait3A_241 = tpu.memref_squeeze %dma_wait3A_240 : memref<1x128xi32, #tpu.memory_space<vmem>> -> memref<128xi32, #tpu.memory_space<vmem>>
          %dma_wait3A_242 = arith.constant 0 : i32
          %dma_wait3A_243 = arith.constant 0 : i32
          %dma_wait3A_244 = tpu.memref_slice %arg15[%dma_wait3A_242, %dma_wait3A_243] : memref<10112x16xf32, #tpu.memory_space<vmem_shared>> -> memref<10112x16xf32, #tpu.memory_space<vmem_shared>>
          tpu.wait_indirect_dma semaphore(%run_scoped3A : memref<!tpu.dma_semaphore, #tpu.memory_space<semaphore_mem>>) src(%arg13 : memref<128x16xf32, #tpu.memory_space<vmem>>) dst(%dma_wait3A_244 : memref<10112x16xf32, #tpu.memory_space<vmem_shared>>)
          tpu.yield
        }) : () -> ()
      } else {
      }
      %add3A_197 = arith.constant 2 : i32
      %add3A_198 = arith.addi %add3A_182, %add3A_197 : i32
      %lt3A_199 = arith.constant 158 : i32
      %lt3A_200 = arith.cmpi slt, %add3A_198, %lt3A_199 : i32
      %convert_element_type3A_201 = arith.extui %lt3A_200 : i1 to i32
      %cond3A_202 = arith.constant 0 : i32
      %cond3A_203 = arith.cmpi ne, %convert_element_type3A_201, %cond3A_202 : i32
      scf.if %cond3A_203 {
        %add3A_233 = arith.constant 2 : i32
        %add3A_234 = arith.addi %add3A_182, %add3A_233 : i32
        %dma_start3A_235 = arith.constant 0 : i32
        %dma_start3A_236 = tpu.memref_slice %arg7[%add3A_234, %dma_start3A_235] : memref<158x128xi32, #tpu.memory_space<vmem>> -> memref<1x128xi32, #tpu.memory_space<vmem>>
        %dma_start3A_237 = tpu.memref_squeeze %dma_start3A_236 : memref<1x128xi32, #tpu.memory_space<vmem>> -> memref<128xi32, #tpu.memory_space<vmem>>
        %dma_start3A_238 = arith.constant 0 : i32
        %dma_start3A_239 = arith.constant 0 : i32
        %dma_start3A_240 = tpu.memref_slice %arg2[%arg0, %dma_start3A_238, %dma_start3A_239] : memref<2x10000x64xf32, #tpu.memory_space<hbm>> -> memref<1x10000x64xf32, #tpu.memory_space<hbm>>
        %dma_start3A_241 = tpu.memref_squeeze %dma_start3A_240 : memref<1x10000x64xf32, #tpu.memory_space<hbm>> -> memref<10000x64xf32, #tpu.memory_space<hbm>>
        %dma_start3A_242 = arith.constant 0 : i32
        %dma_start3A_243 = arith.constant 0 : i32
        %dma_start3A_244 = tpu.memref_slice %dma_start3A_241[%dma_start3A_242, %dma_start3A_243] : memref<10000x64xf32, #tpu.memory_space<hbm>> -> memref<10000x64xf32, #tpu.memory_space<hbm>>
        tpu.enqueue_indirect_dma source(%dma_start3A_244 : memref<10000x64xf32, #tpu.memory_space<hbm>>) target(%arg9 : memref<128x64xf32, #tpu.memory_space<vmem>>) offsets(%dma_start3A_237 : memref<128xi32, #tpu.memory_space<vmem>>) semaphore(%arg16 : memref<!tpu.dma_semaphore, #tpu.memory_space<semaphore_mem>>)
      } else {
      }
      %add3A_204 = arith.constant 1 : i32
      %add3A_205 = arith.addi %mul3A_180, %add3A_204 : i32
      %dma_wait3A_206 = arith.constant 0 : i32
      %dma_wait3A_207 = tpu.memref_slice %arg7[%add3A_205, %dma_wait3A_206] : memref<158x128xi32, #tpu.memory_space<vmem>> -> memref<1x128xi32, #tpu.memory_space<vmem>>
      %dma_wait3A_208 = tpu.memref_squeeze %dma_wait3A_207 : memref<1x128xi32, #tpu.memory_space<vmem>> -> memref<128xi32, #tpu.memory_space<vmem>>
      %dma_wait3A_209 = arith.constant 0 : i32
      %dma_wait3A_210 = arith.constant 0 : i32
      %dma_wait3A_211 = tpu.memref_slice %arg2[%arg0, %dma_wait3A_209, %dma_wait3A_210] : memref<2x10000x64xf32, #tpu.memory_space<hbm>> -> memref<1x10000x64xf32, #tpu.memory_space<hbm>>
      %dma_wait3A_212 = tpu.memref_squeeze %dma_wait3A_211 : memref<1x10000x64xf32, #tpu.memory_space<hbm>> -> memref<10000x64xf32, #tpu.memory_space<hbm>>
      %dma_wait3A_213 = arith.constant 0 : i32
      %dma_wait3A_214 = arith.constant 0 : i32
      %dma_wait3A_215 = tpu.memref_slice %dma_wait3A_212[%dma_wait3A_213, %dma_wait3A_214] : memref<10000x64xf32, #tpu.memory_space<hbm>> -> memref<10000x64xf32, #tpu.memory_space<hbm>>
      tpu.wait_indirect_dma semaphore(%arg17 : memref<!tpu.dma_semaphore, #tpu.memory_space<semaphore_mem>>) src(%dma_wait3A_215 : memref<10000x64xf32, #tpu.memory_space<hbm>>) dst(%arg10 : memref<128x64xf32, #tpu.memory_space<vmem>>)
      "tpu.region"() ({
        %run_scoped3A = tpu.sem_alloc : memref<!tpu.dma_semaphore, #tpu.memory_space<semaphore_mem>>
        %dma_start3A_233 = arith.constant 0 : i32
        %dma_start3A_234 = tpu.memref_slice %arg8[%add3A_205, %dma_start3A_233] : memref<158x128xi32, #tpu.memory_space<vmem>> -> memref<1x128xi32, #tpu.memory_space<vmem>>
        %dma_start3A_235 = tpu.memref_squeeze %dma_start3A_234 : memref<1x128xi32, #tpu.memory_space<vmem>> -> memref<128xi32, #tpu.memory_space<vmem>>
        %dma_start3A_236 = arith.constant 0 : i32
        %dma_start3A_237 = arith.constant 0 : i32
        %dma_start3A_238 = tpu.memref_slice %arg14[%dma_start3A_236, %dma_start3A_237] : memref<10112x64xf32, #tpu.memory_space<vmem_shared>> -> memref<10112x64xf32, #tpu.memory_space<vmem_shared>>
        tpu.enqueue_indirect_dma source(%arg10 : memref<128x64xf32, #tpu.memory_space<vmem>>) target(%dma_start3A_238 : memref<10112x64xf32, #tpu.memory_space<vmem_shared>>) offsets(%dma_start3A_235 : memref<128xi32, #tpu.memory_space<vmem>>) semaphore(%run_scoped3A : memref<!tpu.dma_semaphore, #tpu.memory_space<semaphore_mem>>) {add = true}
        %dma_wait3A_239 = arith.constant 0 : i32
        %dma_wait3A_240 = tpu.memref_slice %arg8[%add3A_205, %dma_wait3A_239] : memref<158x128xi32, #tpu.memory_space<vmem>> -> memref<1x128xi32, #tpu.memory_space<vmem>>
        %dma_wait3A_241 = tpu.memref_squeeze %dma_wait3A_240 : memref<1x128xi32, #tpu.memory_space<vmem>> -> memref<128xi32, #tpu.memory_space<vmem>>
        %dma_wait3A_242 = arith.constant 0 : i32
        %dma_wait3A_243 = arith.constant 0 : i32
        %dma_wait3A_244 = tpu.memref_slice %arg14[%dma_wait3A_242, %dma_wait3A_243] : memref<10112x64xf32, #tpu.memory_space<vmem_shared>> -> memref<10112x64xf32, #tpu.memory_space<vmem_shared>>
        tpu.wait_indirect_dma semaphore(%run_scoped3A : memref<!tpu.dma_semaphore, #tpu.memory_space<semaphore_mem>>) src(%arg10 : memref<128x64xf32, #tpu.memory_space<vmem>>) dst(%dma_wait3A_244 : memref<10112x64xf32, #tpu.memory_space<vmem_shared>>)
        tpu.yield
      }) : () -> ()
      %eq3A_216 = arith.constant 0 : i32
      %eq3A_217 = arith.cmpi eq, %arg0, %eq3A_216 : i32
      %lt3A_218 = arith.constant 79 : i32
      %lt3A_219 = arith.cmpi slt, %add3A_205, %lt3A_218 : i32
      %ge3A_220 = arith.constant 79 : i32
      %ge3A_221 = arith.cmpi sge, %add3A_205, %ge3A_220 : i32
      %select_n3A_222 = arith.select %eq3A_217, %lt3A_219, %ge3A_221 : i1
      %convert_element_type3A_223 = arith.extui %select_n3A_222 : i1 to i32
      %cond3A_224 = arith.constant 0 : i32
      %cond3A_225 = arith.cmpi ne, %convert_element_type3A_223, %cond3A_224 : i32
      scf.if %cond3A_225 {
        "tpu.region"() ({
          %run_scoped3A = tpu.sem_alloc : memref<!tpu.dma_semaphore, #tpu.memory_space<semaphore_mem>>
          %dma_start3A_233 = arith.constant 0 : i32
          %dma_start3A_234 = tpu.memref_slice %arg8[%add3A_205, %dma_start3A_233] : memref<158x128xi32, #tpu.memory_space<vmem>> -> memref<1x128xi32, #tpu.memory_space<vmem>>
          %dma_start3A_235 = tpu.memref_squeeze %dma_start3A_234 : memref<1x128xi32, #tpu.memory_space<vmem>> -> memref<128xi32, #tpu.memory_space<vmem>>
          %dma_start3A_236 = arith.constant 0 : i32
          %dma_start3A_237 = arith.constant 0 : i32
          %dma_start3A_238 = tpu.memref_slice %arg15[%dma_start3A_236, %dma_start3A_237] : memref<10112x16xf32, #tpu.memory_space<vmem_shared>> -> memref<10112x16xf32, #tpu.memory_space<vmem_shared>>
          tpu.enqueue_indirect_dma source(%arg13 : memref<128x16xf32, #tpu.memory_space<vmem>>) target(%dma_start3A_238 : memref<10112x16xf32, #tpu.memory_space<vmem_shared>>) offsets(%dma_start3A_235 : memref<128xi32, #tpu.memory_space<vmem>>) semaphore(%run_scoped3A : memref<!tpu.dma_semaphore, #tpu.memory_space<semaphore_mem>>) {add = true}
          %dma_wait3A_239 = arith.constant 0 : i32
          %dma_wait3A_240 = tpu.memref_slice %arg8[%add3A_205, %dma_wait3A_239] : memref<158x128xi32, #tpu.memory_space<vmem>> -> memref<1x128xi32, #tpu.memory_space<vmem>>
          %dma_wait3A_241 = tpu.memref_squeeze %dma_wait3A_240 : memref<1x128xi32, #tpu.memory_space<vmem>> -> memref<128xi32, #tpu.memory_space<vmem>>
          %dma_wait3A_242 = arith.constant 0 : i32
          %dma_wait3A_243 = arith.constant 0 : i32
          %dma_wait3A_244 = tpu.memref_slice %arg15[%dma_wait3A_242, %dma_wait3A_243] : memref<10112x16xf32, #tpu.memory_space<vmem_shared>> -> memref<10112x16xf32, #tpu.memory_space<vmem_shared>>
          tpu.wait_indirect_dma semaphore(%run_scoped3A : memref<!tpu.dma_semaphore, #tpu.memory_space<semaphore_mem>>) src(%arg13 : memref<128x16xf32, #tpu.memory_space<vmem>>) dst(%dma_wait3A_244 : memref<10112x16xf32, #tpu.memory_space<vmem_shared>>)
          tpu.yield
        }) : () -> ()
      } else {
      }
      %add3A_226 = arith.constant 2 : i32
      %add3A_227 = arith.addi %add3A_205, %add3A_226 : i32
      %lt3A_228 = arith.constant 158 : i32
      %lt3A_229 = arith.cmpi slt, %add3A_227, %lt3A_228 : i32
      %convert_element_type3A_230 = arith.extui %lt3A_229 : i1 to i32
      %cond3A_231 = arith.constant 0 : i32
      %cond3A_232 = arith.cmpi ne, %convert_element_type3A_230, %cond3A_231 : i32
      scf.if %cond3A_232 {
        %add3A_233 = arith.constant 2 : i32
        %add3A_234 = arith.addi %add3A_205, %add3A_233 : i32
        %dma_start3A_235 = arith.constant 0 : i32
        %dma_start3A_236 = tpu.memref_slice %arg7[%add3A_234, %dma_start3A_235] : memref<158x128xi32, #tpu.memory_space<vmem>> -> memref<1x128xi32, #tpu.memory_space<vmem>>
        %dma_start3A_237 = tpu.memref_squeeze %dma_start3A_236 : memref<1x128xi32, #tpu.memory_space<vmem>> -> memref<128xi32, #tpu.memory_space<vmem>>
        %dma_start3A_238 = arith.constant 0 : i32
        %dma_start3A_239 = arith.constant 0 : i32
        %dma_start3A_240 = tpu.memref_slice %arg2[%arg0, %dma_start3A_238, %dma_start3A_239] : memref<2x10000x64xf32, #tpu.memory_space<hbm>> -> memref<1x10000x64xf32, #tpu.memory_space<hbm>>
        %dma_start3A_241 = tpu.memref_squeeze %dma_start3A_240 : memref<1x10000x64xf32, #tpu.memory_space<hbm>> -> memref<10000x64xf32, #tpu.memory_space<hbm>>
        %dma_start3A_242 = arith.constant 0 : i32
        %dma_start3A_243 = arith.constant 0 : i32
        %dma_start3A_244 = tpu.memref_slice %dma_start3A_241[%dma_start3A_242, %dma_start3A_243] : memref<10000x64xf32, #tpu.memory_space<hbm>> -> memref<10000x64xf32, #tpu.memory_space<hbm>>
        tpu.enqueue_indirect_dma source(%dma_start3A_244 : memref<10000x64xf32, #tpu.memory_space<hbm>>) target(%arg10 : memref<128x64xf32, #tpu.memory_space<vmem>>) offsets(%dma_start3A_237 : memref<128xi32, #tpu.memory_space<vmem>>) semaphore(%arg17 : memref<!tpu.dma_semaphore, #tpu.memory_space<semaphore_mem>>)
      } else {
      }
    }
    %scan3A_154 = arith.constant 79 : i32
    %barrier3A_155 = arith.constant 0 : index
    tpu.barrier barrier_id(%barrier3A_155)
    %mul3A_156 = arith.constant 632 : i32
    %mul3A_157 = arith.muli %arg1, %mul3A_156 : i32
    %dma_start3A_158 = arith.constant 0 : i32
    %dma_start3A_159 = tpu.memref_slice %arg5[%arg0, %mul3A_157, %dma_start3A_158] : memref<2x10112x64xf32, #tpu.memory_space<hbm>> -> memref<1x632x64xf32, #tpu.memory_space<hbm>>
    %dma_start3A_160 = tpu.memref_squeeze %dma_start3A_159 : memref<1x632x64xf32, #tpu.memory_space<hbm>> -> memref<632x64xf32, #tpu.memory_space<hbm>>
    %dma_start3A_161 = arith.constant 0 : i32
    %dma_start3A_162 = tpu.memref_slice %arg14[%mul3A_157, %dma_start3A_161] : memref<10112x64xf32, #tpu.memory_space<vmem_shared>> -> memref<632x64xf32, #tpu.memory_space<vmem_shared>>
    tpu.enqueue_dma source(%dma_start3A_162 : memref<632x64xf32, #tpu.memory_space<vmem_shared>>) target(%dma_start3A_160 : memref<632x64xf32, #tpu.memory_space<hbm>>) target_semaphore(%arg18 : memref<!tpu.dma_semaphore, #tpu.memory_space<semaphore_mem>>)
    %dma_start3A_163 = arith.constant 0 : i32
    %dma_start3A_164 = tpu.memref_slice %arg6[%arg0, %mul3A_157, %dma_start3A_163] : memref<2x10112x16xf32, #tpu.memory_space<hbm>> -> memref<1x632x16xf32, #tpu.memory_space<hbm>>
    %dma_start3A_165 = tpu.memref_squeeze %dma_start3A_164 : memref<1x632x16xf32, #tpu.memory_space<hbm>> -> memref<632x16xf32, #tpu.memory_space<hbm>>
    %dma_start3A_166 = arith.constant 0 : i32
    %dma_start3A_167 = tpu.memref_slice %arg15[%mul3A_157, %dma_start3A_166] : memref<10112x16xf32, #tpu.memory_space<vmem_shared>> -> memref<632x16xf32, #tpu.memory_space<vmem_shared>>
    tpu.enqueue_dma source(%dma_start3A_167 : memref<632x16xf32, #tpu.memory_space<vmem_shared>>) target(%dma_start3A_165 : memref<632x16xf32, #tpu.memory_space<hbm>>) target_semaphore(%arg18 : memref<!tpu.dma_semaphore, #tpu.memory_space<semaphore_mem>>)
    %dma_wait3A_168 = arith.constant 0 : i32
    %dma_wait3A_169 = tpu.memref_slice %arg5[%arg0, %mul3A_157, %dma_wait3A_168] : memref<2x10112x64xf32, #tpu.memory_space<hbm>> -> memref<1x632x64xf32, #tpu.memory_space<hbm>>
    %dma_wait3A_170 = tpu.memref_squeeze %dma_wait3A_169 : memref<1x632x64xf32, #tpu.memory_space<hbm>> -> memref<632x64xf32, #tpu.memory_space<hbm>>
    %dma_wait3A_171 = arith.constant 0 : i32
    %dma_wait3A_172 = tpu.memref_slice %arg14[%mul3A_157, %dma_wait3A_171] : memref<10112x64xf32, #tpu.memory_space<vmem_shared>> -> memref<632x64xf32, #tpu.memory_space<vmem_shared>>
    tpu.wait_dma2 semaphore(%arg18 : memref<!tpu.dma_semaphore, #tpu.memory_space<semaphore_mem>>) src(%dma_wait3A_172 : memref<632x64xf32, #tpu.memory_space<vmem_shared>>) dst(%dma_wait3A_170 : memref<632x64xf32, #tpu.memory_space<hbm>>)
    %dma_wait3A_173 = arith.constant 0 : i32
    %dma_wait3A_174 = tpu.memref_slice %arg6[%arg0, %mul3A_157, %dma_wait3A_173] : memref<2x10112x16xf32, #tpu.memory_space<hbm>> -> memref<1x632x16xf32, #tpu.memory_space<hbm>>
    %dma_wait3A_175 = tpu.memref_squeeze %dma_wait3A_174 : memref<1x632x16xf32, #tpu.memory_space<hbm>> -> memref<632x16xf32, #tpu.memory_space<hbm>>
    %dma_wait3A_176 = arith.constant 0 : i32
    %dma_wait3A_177 = tpu.memref_slice %arg15[%mul3A_157, %dma_wait3A_176] : memref<10112x16xf32, #tpu.memory_space<vmem_shared>> -> memref<632x16xf32, #tpu.memory_space<vmem_shared>>
    tpu.wait_dma2 semaphore(%arg18 : memref<!tpu.dma_semaphore, #tpu.memory_space<semaphore_mem>>) src(%dma_wait3A_177 : memref<632x16xf32, #tpu.memory_space<vmem_shared>>) dst(%dma_wait3A_175 : memref<632x16xf32, #tpu.memory_space<hbm>>)
    return
  }
}

module attributes {stable_mosaic.version = 14 : i64} {
  func.func @_dense_body2(%arg0: i32, %arg1: memref<2x2000x64xf32, #tpu.memory_space<vmem>>, %arg2: memref<2x2000x16xf32, #tpu.memory_space<vmem>>, %arg3: memref<2000x128xf32, #tpu.memory_space<vmem>>, %arg4: memref<128x128xf32, #tpu.memory_space<vmem>>, %arg5: memref<128x128xf32, #tpu.memory_space<vmem>>, %arg6: memref<1x128xf32, #tpu.memory_space<vmem>>, %arg7: memref<2000x128xf32, #tpu.memory_space<vmem>>, %arg8: memref<2x2000x64xf32, #tpu.memory_space<vmem>>) attributes {dimension_semantics = [#tpu.dimension_semantics<arbitrary>], iteration_bounds = array<i64: 5>, scalar_prefetch = 0 : i64, scratch_operands = 0 : i64, tpu.core_type = #tpu.core_type<tc>, window_params = [{transform_indices = @transform_0, window_bounds = array<i64: 2, 2000, 64>}, {transform_indices = @transform_1, window_bounds = array<i64: 2, 2000, 16>}, {transform_indices = @transform_2, window_bounds = array<i64: 2000, 128>}, {pipeline_mode = #tpu.pipeline_mode<synchronous>, transform_indices = @transform_3, window_bounds = array<i64: 128, 128>}, {pipeline_mode = #tpu.pipeline_mode<synchronous>, transform_indices = @transform_4, window_bounds = array<i64: 128, 128>}, {pipeline_mode = #tpu.pipeline_mode<synchronous>, transform_indices = @transform_5, window_bounds = array<i64: 1, 128>}, {transform_indices = @transform_6, window_bounds = array<i64: 2000, 128>}, {transform_indices = @transform_7, window_bounds = array<i64: 2, 2000, 64>}]} {
    %get3A = arith.constant 0 : index
    %get3A_0 = arith.constant 0 : index
    %get3A_1 = arith.constant 0 : index
    %get3A_2 = vector.load %arg1[%get3A, %get3A_0, %get3A_1] : memref<2x2000x64xf32, #tpu.memory_space<vmem>>, vector<1x2000x64xf32>
    %get3A_3 = vector.shape_cast %get3A_2 : vector<1x2000x64xf32> to vector<2000x64xf32>
    %get3A_4 = arith.constant 1 : index
    %get3A_5 = arith.constant 0 : index
    %get3A_6 = arith.constant 0 : index
    %get3A_7 = vector.load %arg1[%get3A_4, %get3A_5, %get3A_6] : memref<2x2000x64xf32, #tpu.memory_space<vmem>>, vector<1x2000x64xf32>
    %get3A_8 = vector.shape_cast %get3A_7 : vector<1x2000x64xf32> to vector<2000x64xf32>
    %concatenate3A = tpu.concatenate %get3A_3, %get3A_8 in 1 : vector<2000x64xf32>, vector<2000x64xf32> -> vector<2000x128xf32>
    %get3A_9 = arith.constant 0 : index
    %get3A_10 = arith.constant 0 : index
    %get3A_11 = arith.constant 0 : index
    %get3A_12 = vector.load %arg2[%get3A_9, %get3A_10, %get3A_11] : memref<2x2000x16xf32, #tpu.memory_space<vmem>>, vector<1x2000x1xf32>
    %get3A_13 = vector.shape_cast %get3A_12 : vector<1x2000x1xf32> to vector<2000x1xf32>
    %get3A_14 = arith.constant 1 : index
    %get3A_15 = arith.constant 0 : index
    %get3A_16 = arith.constant 0 : index
    %get3A_17 = vector.load %arg2[%get3A_14, %get3A_15, %get3A_16] : memref<2x2000x16xf32, #tpu.memory_space<vmem>>, vector<1x2000x1xf32>
    %get3A_18 = vector.shape_cast %get3A_17 : vector<1x2000x1xf32> to vector<2000x1xf32>
    %add3A = arith.addf %get3A_13, %get3A_18 : vector<2000x1xf32>
    %max3A = arith.constant 1.000000e+00 : f32
    %max3A_19 = vector.broadcast %max3A : f32 to vector<2000x1xf32>
    %max3A_20 = arith.maximumf %add3A, %max3A_19 : vector<2000x1xf32>
    %div3A = arith.constant 1.000000e+00 : f32
    %div3A_21 = vector.broadcast %div3A : f32 to vector<2000x1xf32>
    %div3A_22 = arith.divf %div3A_21, %max3A_20 : vector<2000x1xf32>
    %mul3A = vector.broadcast %div3A_22 : vector<2000x1xf32> to vector<2000x128xf32>
    %mul3A_23 = arith.mulf %concatenate3A, %mul3A : vector<2000x128xf32>
    %get3A_24 = arith.constant 0 : index
    %get3A_25 = arith.constant 0 : index
    %get3A_26 = vector.load %arg4[%get3A_24, %get3A_25] : memref<128x128xf32, #tpu.memory_space<vmem>>, vector<128x128xf32>
    %dot_general3A = arith.constant dense<0.000000e+00> : vector<2000x128xf32>
    %dot_general3A_27 = tpu.matmul %mul3A_23, %get3A_26, %dot_general3A {dimension_numbers = #tpu.dot_dimension_numbers<[1], [0], [0], [1], [0, 0, 1, 1], [], []>, transpose_lhs_hint = false} : vector<2000x128xf32>, vector<128x128xf32>, vector<2000x128xf32> -> vector<2000x128xf32>
    %get3A_28 = arith.constant 0 : index
    %get3A_29 = arith.constant 0 : index
    %get3A_30 = vector.load %arg3[%get3A_28, %get3A_29] : memref<2000x128xf32, #tpu.memory_space<vmem>>, vector<2000x128xf32>
    %get3A_31 = arith.constant 0 : index
    %get3A_32 = arith.constant 0 : index
    %get3A_33 = vector.load %arg5[%get3A_31, %get3A_32] : memref<128x128xf32, #tpu.memory_space<vmem>>, vector<128x128xf32>
    %dot_general3A_34 = arith.constant dense<0.000000e+00> : vector<2000x128xf32>
    %dot_general3A_35 = tpu.matmul %get3A_30, %get3A_33, %dot_general3A_34 {dimension_numbers = #tpu.dot_dimension_numbers<[1], [0], [0], [1], [0, 0, 1, 1], [], []>, transpose_lhs_hint = false} : vector<2000x128xf32>, vector<128x128xf32>, vector<2000x128xf32> -> vector<2000x128xf32>
    %add3A_36 = arith.addf %dot_general3A_27, %dot_general3A_35 : vector<2000x128xf32>
    %get3A_37 = arith.constant 0 : index
    %get3A_38 = arith.constant 0 : index
    %get3A_39 = vector.load %arg6[%get3A_37, %get3A_38] : memref<1x128xf32, #tpu.memory_space<vmem>>, vector<1x128xf32>
    %add3A_40 = vector.broadcast %get3A_39 : vector<1x128xf32> to vector<2000x128xf32>
    %add3A_41 = arith.addf %add3A_36, %add3A_40 : vector<2000x128xf32>
    %swap3A = arith.constant 0 : index
    %swap3A_42 = arith.constant 0 : index
    %swap3A_43 = vector.load %arg7[%swap3A, %swap3A_42] : memref<2000x128xf32, #tpu.memory_space<vmem>>, vector<2000x128xf32>
    tpu.vector_store %arg7[%swap3A, %swap3A_42], %add3A_41 {strides = array<i32>} : memref<2000x128xf32, #tpu.memory_space<vmem>>, vector<2000x128xf32>,
    %slice3A = vector.extract_strided_slice %add3A_41 {offsets = [0, 0], sizes = [2000, 64], strides = [1, 1]} : vector<2000x128xf32> to vector<2000x64xf32>
    %swap3A_44 = arith.constant 0 : index
    %swap3A_45 = arith.constant 0 : index
    %swap3A_46 = arith.constant 0 : index
    %swap3A_47 = vector.load %arg8[%swap3A_44, %swap3A_45, %swap3A_46] : memref<2x2000x64xf32, #tpu.memory_space<vmem>>, vector<1x2000x64xf32>
    %swap3A_48 = vector.shape_cast %swap3A_47 : vector<1x2000x64xf32> to vector<2000x64xf32>
    %swap3A_49 = vector.shape_cast %slice3A : vector<2000x64xf32> to vector<1x2000x64xf32>
    tpu.vector_store %arg8[%swap3A_44, %swap3A_45, %swap3A_46], %swap3A_49 {strides = array<i32>} : memref<2x2000x64xf32, #tpu.memory_space<vmem>>, vector<1x2000x64xf32>,
    %slice3A_50 = vector.extract_strided_slice %add3A_41 {offsets = [0, 64], sizes = [2000, 64], strides = [1, 1]} : vector<2000x128xf32> to vector<2000x64xf32>
    %swap3A_51 = arith.constant 1 : index
    %swap3A_52 = arith.constant 0 : index
    %swap3A_53 = arith.constant 0 : index
    %swap3A_54 = vector.load %arg8[%swap3A_51, %swap3A_52, %swap3A_53] : memref<2x2000x64xf32, #tpu.memory_space<vmem>>, vector<1x2000x64xf32>
    %swap3A_55 = vector.shape_cast %swap3A_54 : vector<1x2000x64xf32> to vector<2000x64xf32>
    %swap3A_56 = vector.shape_cast %slice3A_50 : vector<2000x64xf32> to vector<1x2000x64xf32>
    tpu.vector_store %arg8[%swap3A_51, %swap3A_52, %swap3A_53], %swap3A_56 {strides = array<i32>} : memref<2x2000x64xf32, #tpu.memory_space<vmem>>, vector<1x2000x64xf32>,
    return
  }
  func.func @transform_0(%arg0: i32) -> (i32, i32, i32) {
    %c0_i32 = arith.constant 0 : i32
    %c0_i32_0 = arith.constant 0 : i32
    %c0_i32_1 = arith.constant 0 : i32
    return %c0_i32, %arg0, %c0_i32_0 : i32, i32, i32
  }
  func.func @transform_1(%arg0: i32) -> (i32, i32, i32) {
    %c0_i32 = arith.constant 0 : i32
    %c0_i32_0 = arith.constant 0 : i32
    %c0_i32_1 = arith.constant 0 : i32
    return %c0_i32, %arg0, %c0_i32_0 : i32, i32, i32
  }
  func.func @transform_2(%arg0: i32) -> (i32, i32) {
    %c0_i32 = arith.constant 0 : i32
    %c0_i32_0 = arith.constant 0 : i32
    return %arg0, %c0_i32 : i32, i32
  }
  func.func @transform_3(%arg0: i32) -> (i32, i32) {
    %c0_i32 = arith.constant 0 : i32
    %c0_i32_0 = arith.constant 0 : i32
    %c0_i32_1 = arith.constant 0 : i32
    return %c0_i32, %c0_i32_0 : i32, i32
  }
  func.func @transform_4(%arg0: i32) -> (i32, i32) {
    %c0_i32 = arith.constant 0 : i32
    %c0_i32_0 = arith.constant 0 : i32
    %c0_i32_1 = arith.constant 0 : i32
    return %c0_i32, %c0_i32_0 : i32, i32
  }
  func.func @transform_5(%arg0: i32) -> (i32, i32) {
    %c0_i32 = arith.constant 0 : i32
    %c0_i32_0 = arith.constant 0 : i32
    %c0_i32_1 = arith.constant 0 : i32
    return %c0_i32, %c0_i32_0 : i32, i32
  }
  func.func @transform_6(%arg0: i32) -> (i32, i32) {
    %c0_i32 = arith.constant 0 : i32
    %c0_i32_0 = arith.constant 0 : i32
    return %arg0, %c0_i32 : i32, i32
  }
  func.func @transform_7(%arg0: i32) -> (i32, i32, i32) {
    %c0_i32 = arith.constant 0 : i32
    %c0_i32_0 = arith.constant 0 : i32
    %c0_i32_1 = arith.constant 0 : i32
    return %c0_i32, %arg0, %c0_i32_0 : i32, i32, i32
  }
}

module attributes {stable_mosaic.version = 14 : i64} {
  func.func @_dense_body(%arg0: i32, %arg1: memref<2x2000x64xf32, #tpu.memory_space<vmem>>, %arg2: memref<2x2000x16xf32, #tpu.memory_space<vmem>>, %arg3: memref<2000x128xf32, #tpu.memory_space<vmem>>, %arg4: memref<128x128xf32, #tpu.memory_space<vmem>>, %arg5: memref<128x128xf32, #tpu.memory_space<vmem>>, %arg6: memref<1x128xf32, #tpu.memory_space<vmem>>, %arg7: memref<2000x128xf32, #tpu.memory_space<vmem>>) attributes {dimension_semantics = [#tpu.dimension_semantics<arbitrary>], iteration_bounds = array<i64: 5>, scalar_prefetch = 0 : i64, scratch_operands = 0 : i64, tpu.core_type = #tpu.core_type<tc>, window_params = [{transform_indices = @transform_0, window_bounds = array<i64: 2, 2000, 64>}, {transform_indices = @transform_1, window_bounds = array<i64: 2, 2000, 16>}, {transform_indices = @transform_2, window_bounds = array<i64: 2000, 128>}, {pipeline_mode = #tpu.pipeline_mode<synchronous>, transform_indices = @transform_3, window_bounds = array<i64: 128, 128>}, {pipeline_mode = #tpu.pipeline_mode<synchronous>, transform_indices = @transform_4, window_bounds = array<i64: 128, 128>}, {pipeline_mode = #tpu.pipeline_mode<synchronous>, transform_indices = @transform_5, window_bounds = array<i64: 1, 128>}, {transform_indices = @transform_6, window_bounds = array<i64: 2000, 128>}]} {
    %get3A = arith.constant 0 : index
    %get3A_0 = arith.constant 0 : index
    %get3A_1 = arith.constant 0 : index
    %get3A_2 = vector.load %arg1[%get3A, %get3A_0, %get3A_1] : memref<2x2000x64xf32, #tpu.memory_space<vmem>>, vector<1x2000x64xf32>
    %get3A_3 = vector.shape_cast %get3A_2 : vector<1x2000x64xf32> to vector<2000x64xf32>
    %get3A_4 = arith.constant 1 : index
    %get3A_5 = arith.constant 0 : index
    %get3A_6 = arith.constant 0 : index
    %get3A_7 = vector.load %arg1[%get3A_4, %get3A_5, %get3A_6] : memref<2x2000x64xf32, #tpu.memory_space<vmem>>, vector<1x2000x64xf32>
    %get3A_8 = vector.shape_cast %get3A_7 : vector<1x2000x64xf32> to vector<2000x64xf32>
    %concatenate3A = tpu.concatenate %get3A_3, %get3A_8 in 1 : vector<2000x64xf32>, vector<2000x64xf32> -> vector<2000x128xf32>
    %get3A_9 = arith.constant 0 : index
    %get3A_10 = arith.constant 0 : index
    %get3A_11 = arith.constant 0 : index
    %get3A_12 = vector.load %arg2[%get3A_9, %get3A_10, %get3A_11] : memref<2x2000x16xf32, #tpu.memory_space<vmem>>, vector<1x2000x1xf32>
    %get3A_13 = vector.shape_cast %get3A_12 : vector<1x2000x1xf32> to vector<2000x1xf32>
    %get3A_14 = arith.constant 1 : index
    %get3A_15 = arith.constant 0 : index
    %get3A_16 = arith.constant 0 : index
    %get3A_17 = vector.load %arg2[%get3A_14, %get3A_15, %get3A_16] : memref<2x2000x16xf32, #tpu.memory_space<vmem>>, vector<1x2000x1xf32>
    %get3A_18 = vector.shape_cast %get3A_17 : vector<1x2000x1xf32> to vector<2000x1xf32>
    %add3A = arith.addf %get3A_13, %get3A_18 : vector<2000x1xf32>
    %max3A = arith.constant 1.000000e+00 : f32
    %max3A_19 = vector.broadcast %max3A : f32 to vector<2000x1xf32>
    %max3A_20 = arith.maximumf %add3A, %max3A_19 : vector<2000x1xf32>
    %div3A = arith.constant 1.000000e+00 : f32
    %div3A_21 = vector.broadcast %div3A : f32 to vector<2000x1xf32>
    %div3A_22 = arith.divf %div3A_21, %max3A_20 : vector<2000x1xf32>
    %mul3A = vector.broadcast %div3A_22 : vector<2000x1xf32> to vector<2000x128xf32>
    %mul3A_23 = arith.mulf %concatenate3A, %mul3A : vector<2000x128xf32>
    %get3A_24 = arith.constant 0 : index
    %get3A_25 = arith.constant 0 : index
    %get3A_26 = vector.load %arg4[%get3A_24, %get3A_25] : memref<128x128xf32, #tpu.memory_space<vmem>>, vector<128x128xf32>
    %dot_general3A = arith.constant dense<0.000000e+00> : vector<2000x128xf32>
    %dot_general3A_27 = tpu.matmul %mul3A_23, %get3A_26, %dot_general3A {dimension_numbers = #tpu.dot_dimension_numbers<[1], [0], [0], [1], [0, 0, 1, 1], [], []>, transpose_lhs_hint = false} : vector<2000x128xf32>, vector<128x128xf32>, vector<2000x128xf32> -> vector<2000x128xf32>
    %get3A_28 = arith.constant 0 : index
    %get3A_29 = arith.constant 0 : index
    %get3A_30 = vector.load %arg3[%get3A_28, %get3A_29] : memref<2000x128xf32, #tpu.memory_space<vmem>>, vector<2000x128xf32>
    %get3A_31 = arith.constant 0 : index
    %get3A_32 = arith.constant 0 : index
    %get3A_33 = vector.load %arg5[%get3A_31, %get3A_32] : memref<128x128xf32, #tpu.memory_space<vmem>>, vector<128x128xf32>
    %dot_general3A_34 = arith.constant dense<0.000000e+00> : vector<2000x128xf32>
    %dot_general3A_35 = tpu.matmul %get3A_30, %get3A_33, %dot_general3A_34 {dimension_numbers = #tpu.dot_dimension_numbers<[1], [0], [0], [1], [0, 0, 1, 1], [], []>, transpose_lhs_hint = false} : vector<2000x128xf32>, vector<128x128xf32>, vector<2000x128xf32> -> vector<2000x128xf32>
    %add3A_36 = arith.addf %dot_general3A_27, %dot_general3A_35 : vector<2000x128xf32>
    %get3A_37 = arith.constant 0 : index
    %get3A_38 = arith.constant 0 : index
    %get3A_39 = vector.load %arg6[%get3A_37, %get3A_38] : memref<1x128xf32, #tpu.memory_space<vmem>>, vector<1x128xf32>
    %add3A_40 = vector.broadcast %get3A_39 : vector<1x128xf32> to vector<2000x128xf32>
    %add3A_41 = arith.addf %add3A_36, %add3A_40 : vector<2000x128xf32>
    %swap3A = arith.constant 0 : index
    %swap3A_42 = arith.constant 0 : index
    %swap3A_43 = vector.load %arg7[%swap3A, %swap3A_42] : memref<2000x128xf32, #tpu.memory_space<vmem>>, vector<2000x128xf32>
    tpu.vector_store %arg7[%swap3A, %swap3A_42], %add3A_41 {strides = array<i32>} : memref<2000x128xf32, #tpu.memory_space<vmem>>, vector<2000x128xf32>,
    return
  }
  func.func @transform_0(%arg0: i32) -> (i32, i32, i32) {
    %c0_i32 = arith.constant 0 : i32
    %c0_i32_0 = arith.constant 0 : i32
    %c0_i32_1 = arith.constant 0 : i32
    return %c0_i32, %arg0, %c0_i32_0 : i32, i32, i32
  }
  func.func @transform_1(%arg0: i32) -> (i32, i32, i32) {
    %c0_i32 = arith.constant 0 : i32
    %c0_i32_0 = arith.constant 0 : i32
    %c0_i32_1 = arith.constant 0 : i32
    return %c0_i32, %arg0, %c0_i32_0 : i32, i32, i32
  }
  func.func @transform_2(%arg0: i32) -> (i32, i32) {
    %c0_i32 = arith.constant 0 : i32
    %c0_i32_0 = arith.constant 0 : i32
    return %arg0, %c0_i32 : i32, i32
  }
  func.func @transform_3(%arg0: i32) -> (i32, i32) {
    %c0_i32 = arith.constant 0 : i32
    %c0_i32_0 = arith.constant 0 : i32
    %c0_i32_1 = arith.constant 0 : i32
    return %c0_i32, %c0_i32_0 : i32, i32
  }
  func.func @transform_4(%arg0: i32) -> (i32, i32) {
    %c0_i32 = arith.constant 0 : i32
    %c0_i32_0 = arith.constant 0 : i32
    %c0_i32_1 = arith.constant 0 : i32
    return %c0_i32, %c0_i32_0 : i32, i32
  }
  func.func @transform_5(%arg0: i32) -> (i32, i32) {
    %c0_i32 = arith.constant 0 : i32
    %c0_i32_0 = arith.constant 0 : i32
    %c0_i32_1 = arith.constant 0 : i32
    return %c0_i32, %c0_i32_0 : i32, i32
  }
  func.func @transform_6(%arg0: i32) -> (i32, i32) {
    %c0_i32 = arith.constant 0 : i32
    %c0_i32_0 = arith.constant 0 : i32
    return %arg0, %c0_i32 : i32, i32
  }
}

</mosaic_0001>

<sc_bundles>
// kernel: kernel.6.cloned.1.call-start
scs
__scs_entry_jumppad:
0x0: {  	(pc) =	sbr.rel $0x88, $3  }
0x1: {  	(tag) =	ssettag $0x0;
	lr =	simm.s32 $0x1  }
0x2: {  	[smem:$0x3F98] =	sst lr;
	_ =	strace $0xD0000000  }
0x3: {  	_ = 	snop  }
0x4: {  	_ = 	snop  }
0x5: {  	_ = 	snop  }
0x6: {  	_ = 	snop  }
0x7: {  	_ = 	snop  }
__scs_overlays_trampoline_lowered:
0x8: {  	[smem:$0x3FA7] =	sst s0  }
0x9: {  	[smem:$0x3FA8] =	sst s1  }
0xa: {  	[smem:$0x3FA9] =	sst s2  }
0xb: {  	[smem:$0x3FAA] =	sst s3  }
0xc: {  	[smem:$0x3FAB] =	sst s4  }
0xd: {  	[smem:$0x3FAC] =	sst s5  }
0xe: {  	[smem:$0x3FAD] =	sst s6  }
0xf: {  	[smem:$0x3FAE] =	sst s7  }
0x10: {  	[smem:$0x3FAF] =	sst s8  }
0x11: {  	[smem:$0x3FB0] =	sst s9;
	s0 =	simm.s32 @!p0 $0x0  }
0x12: {  	s1 =	sld [smem:$0x3F96];
	s0 =	simm.s32 @p0 $0x1  }
0x13: {  	[smem:$0x3FB1] =	sst s0;
	s0 =	simm.s32 @!p1 $0x0  }
0x14: {  	s2 =	sld [smem:$0x3F95];
	s0 =	simm.s32 @p1 $0x1  }
0x15: {  	[smem:$0x3FB2] =	sst s0;
	s0 =	simm.s32 @!p2 $0x0  }
0x16: {  	s3 =	sld [smem:$0x3FDB];
	s0 =	simm.s32 @p2 $0x1  }
0x17: {  	s4 =	simm.s32 $0x1BF5;
	[smem:$0x3FB4] =	sst s0  }
0x18: {  	s0 =	sld [smem:$0x3F97];
	_ =	swait.ge [sflag:s4], $0x0  }
0x19: {  	s7 =	sld [smem:$0x3F98]  }
0x1a: {  	s8 =	sadd.s32 $0xFFFFE003, lr  }
0x1b: {  	s9 =	sadd.s32 $0xFFFFFEF7, lr;
	s5 =	simm.s32 $0xFFFFFFFF;
	p2 =	slt.u32 s8, $0xFFFFF086  }
0x1c: {  	p1 =	slt.u32 s9, $0xF7A;
	s5 =	simm.s32 @!p2 $0x0  }
0x1d: {  	s5 =	simm.s32 @p1 $0x1;
	p0 =	seq.s32 s7, s2  }
0x1e: {  	s7 =	smul.u32 @!p0 $0xF7A, s2;
	p2 =	seq.s32 @!p0 s5, $0x0  }
0x1f: {  	s9 =	smul.u32 $0xF7A, s1;
	s8 =	simm.s32 @!p0 $0x1BF5;
	p2 =	por !p2, p0  }
0x20: {  	[sflag:s8] =	ssyncset.s32 @!p0 $0xFFFFF086;
	s6 =	sadd.s32 @!p0 s3, s7;
	s7 =	simm.s32 @!p0 $0x108  }
0x21: {  	s3 =	sadd.s32 s3, s9;
	s6 =	sadd.s32 @!p0 $0x88, s6;
	s7 =	simm.s32 @p2 $0x1082  }
0x22: {  	[simem:s7], [sflag:s8] =	dma.local @!p0 [hbm:s6], $0xF7A  }
0x23: {  	s9 =	sor.u32 $0xD0000000, s2;
	s6 =	simm.s32 $0x108;
	_ =	swait.ge @!p0 [sflag:s8], $0x0  }
0x24: {  	s3 =	sadd.s32 $0x88, s3;
	s6 =	simm.s32 @!p1 $0x1082;
	[sflag:s4] =	ssyncset.s32 $0xFFFFF086  }
0x25: {  	[simem:s6], [sflag:s4] =	dma.local [hbm:s3], $0xF7A  }
0x26: {  	[smem:$0x3F98] =	sst s1;
	(tag) =	ssettag s2;
	_ =	strace s9  }
0x27: {  	s1 =	sld [smem:$0x3FA8]  }
0x28: {  	s2 =	sld [smem:$0x3FA9]  }
0x29: {  	s4 =	sld [smem:$0x3FAB]  }
0x2a: {  	p0 =	seq.s32 s5, $0x0;
	s5 =	sld [smem:$0x3FAC]  }
0x2b: {  	s6 =	sld [smem:$0x3FAD]  }
0x2c: {  	s7 =	sld [smem:$0x3FAE]  }
0x2d: {  	s3 =	simm.s32 $0x108;
	s8 =	sld [smem:$0x3FAF]  }
0x2e: {  	s3 =	simm.s32 @!p0 $0x1082;
	s9 =	sld [smem:$0x3FB0]  }
0x2f: {  	lr =	sadd.s32 s0, s3;
	s0 =	sld [smem:$0x3FA7]  }
0x30: {  	s3 =	sld [smem:$0x3FAA]  }
0x31: {  	[smem:$0x3FB3] =	sst s10  }
0x32: {  	s10 =	sld [smem:$0x3FB1];
	_ =	sdelay $0x3  }
0x33: {  	p0 =	seq.s32 s10, $0x1;
	s10 =	sld [smem:$0x3FB3];
	_ =	sdelay $0x3  }
0x34: {  	[smem:$0x3FB3] =	sst s10  }
0x35: {  	s10 =	sld [smem:$0x3FB2];
	_ =	sdelay $0x3  }
0x36: {  	p1 =	seq.s32 s10, $0x1;
	s10 =	sld [smem:$0x3FB3];
	_ =	sdelay $0x3  }
0x37: {  	[smem:$0x3FB3] =	sst s10  }
0x38: {  	s10 =	sld [smem:$0x3FB4]  }
0x39: {  	_ = 	snop;
	(pc) =	sbr.ind lr, $3  }
0x3a: {  	_ = 	snop  }
0x3b: {  	_ = 	snop  }
0x3c: {  	p2 =	seq.s32 s10, $0x1;
	s10 =	sld [smem:$0x3FB3]  }
0x3d: {  	_ =	shalt  }
0x3e: {  	_ =	shalt  }
0x3f: {  	_ =	shalt  }
0x40: {  	_ =	shalt  }
0x41: {  	_ =	shalt  }
0x42: {  	_ =	shalt  }
0x43: {  	_ =	shalt  }
0x44: {  	_ =	shalt  }
0x45: {  	_ =	shalt  }
0x46: {  	_ =	shalt  }
0x47: {  	_ =	shalt  }
0x48: {  	_ =	shalt  }
0x49: {  	_ =	shalt  }
0x4a: {  	_ =	shalt  }
0x4b: {  	_ =	shalt  }
0x4c: {  	_ =	shalt  }
0x4d: {  	_ =	shalt  }
0x4e: {  	_ =	shalt  }
0x4f: {  	_ =	shalt  }
0x50: {  	_ =	shalt  }
0x51: {  	_ =	shalt  }
0x52: {  	_ =	shalt  }
0x53: {  	_ =	shalt  }
0x54: {  	_ =	shalt  }
0x55: {  	_ =	shalt  }
0x56: {  	_ =	shalt  }
0x57: {  	_ =	shalt  }
0x58: {  	_ =	shalt  }
0x59: {  	_ =	shalt  }
0x5a: {  	_ =	shalt  }
0x5b: {  	_ =	shalt  }
0x5c: {  	_ =	shalt  }
0x5d: {  	_ =	shalt  }
0x5e: {  	_ =	shalt  }
0x5f: {  	_ =	shalt  }
0x60: {  	_ =	shalt  }
0x61: {  	_ =	shalt  }
0x62: {  	_ =	shalt  }
0x63: {  	_ =	shalt  }
0x64: {  	_ =	shalt  }
0x65: {  	_ =	shalt  }
0x66: {  	_ =	shalt  }
0x67: {  	_ =	shalt  }
0x68: {  	_ =	shalt  }
0x69: {  	_ =	shalt  }
0x6a: {  	_ =	shalt  }
0x6b: {  	_ =	shalt  }
0x6c: {  	_ =	shalt  }
0x6d: {  	_ =	shalt  }
0x6e: {  	_ =	shalt  }
0x6f: {  	_ =	shalt  }
0x70: {  	_ =	shalt  }
0x71: {  	_ =	shalt  }
0x72: {  	_ =	shalt  }
0x73: {  	_ =	shalt  }
0x74: {  	_ =	shalt  }
0x75: {  	_ =	shalt  }
0x76: {  	_ =	shalt  }
0x77: {  	_ =	shalt  }
0x78: {  	_ =	shalt  }
0x79: {  	_ =	shalt  }
0x7a: {  	_ =	shalt  }
0x7b: {  	_ =	shalt  }
0x7c: {  	_ =	shalt  }
0x7d: {  	_ =	shalt  }
0x7e: {  	_ =	shalt  }
0x7f: {  	_ =	shalt  }
0x80: {  	_ =	shalt  }
0x81: {  	_ =	shalt  }
0x82: {  	_ =	shalt  }
0x83: {  	_ =	shalt  }
0x84: {  	_ =	shalt  }
0x85: {  	_ =	shalt  }
0x86: {  	_ =	shalt  }
0x87: {  	_ =	shalt  }
.Lfunc_end0:
.L_simem_size_0:
called_computation_lowered:
.L_overlay_start_0:
0x88: {  	s2 =	sld [smem:$0x3FD9]  }
0x89: {  	s3 =	sld [smem:$0x3FFE];
	_ =	sdelay $0x1  }
0x8a: {  	s1 =	srdreg.scid  }
0x8b: {  	s0 =	sand.u32 $0x1, s1  }
0x8c: {  	s17 =	sshll.u32 s0, $0xA;
	s2 =	sadd.s32 s3, s2  }
0x8d: {  	s2 =	sadd.s32 s2, s17  }
0x8e: {  	[smem:$0x3FBF] =	sst s2  }
0x8f: {  	_ = 	snop  }
0x90: {  	s2 =	sld [smem:$0x3FD0];
	(tm) =	ssettm $0x1  }
0x91: {  	s18 =	sld [smem:$0x3FFB];
	_ =	sdelay $0x3  }
0x92: {  	_ =	strace s18  }
0x93: {  	s3 =	sld [smem:$0x3FFC];
	_ =	sdelay $0x3  }
0x94: {  	_ =	strace s3  }
0x95: {  	s3 =	sld [smem:$0x3FFD];
	_ =	sdelay $0x3  }
0x96: {  	_ =	strace s3  }
0x97: {  	_ =	strace $0x8FFFFFFF  }
0x98: {  	s19 =	sld [smem:$0x3FDB];
	_ =	sdelay $0x1  }
0x99: {  	s4 =	simm.s32 $_scs_section_size  }
0x9a: {  	s5 =	simm.s32 $_size__tile_overlayer_lowered;
	s6 =	simm.s32 $_tile_overlayer_lowered  }
0x9b: {  	s22 =	simm.s32 $0x1BFF;
	s21 =	sshll.u32 s6, $0x1;
	s3 =	sadd.s32 s4, s19  }
0x9c: {  	s7 =	simm.s32 $0x0;
	s20 =	sshll.u32 s5, $0x1;
	s5 =	sadd.s32 s21, s3  }
0x9d: {  	[timem:s7], [sflag:s22] =	dma.local [hbm:s5], s20  }
0x9e: {  	_ =	swait.ge [sflag:s22], s20  }
0x9f: {  	s4 =	ssub.s32 $0x0, s20;
	[sflag:s22] =	ssyncset.done $0x0  }
0xa0: {  	[sflag:s22] =	ssyncadd.s32 s4;
	_ =	sdelay $0x1  }
0xa1: {  	s23 =	simm.s32 $0x1B8B  }
0xa2: {  	_ =	swait.ge [sflag:s23], $0x1  }
0xa3: {  	[sflag:s23] =	ssyncset.done $0x0  }
0xa4: {  	s25 =	simm.s32 $0x1B8E;
	s24 =	sld [smem:$0x3FFE];
	[sflag:s23] =	ssyncadd.s32 $0xFFFFFFFF  }
0xa5: {  	s26 =	simm.s32 $execute0_lowered;
	[smem:$0x3FD2] =	sst s25  }
0xa6: {  	s5 =	sshll.u32 s26, $0x1;
	_ =	strace $0x80000046;
	[dreg:$0x1] =	wrdreg $0xFFFFFFFF  }
0xa7: {  	s28 =	simm.s32 $_size_execute0_lowered;
	s3 =	sadd.s32 s3, s5;
	[dreg:$0x0] =	wrdreg $0x0  }
0xa8: {  	s5 =	sshll.u32 s28, $0x1;
	[dreg:$0x2] =	wrdreg s3  }
0xa9: {  	[dreg:$0x3] =	wrdreg s5  }
0xaa: {  	[dreg:$0x4] =	wrdreg $0xC0  }
0xab: {  	_ =	task [dreg:s7], $0x5FFFF  }
0xac: {  	[dreg:$0x1] =	wrdreg $0xFFFFFFFF  }
0xad: {  	[dreg:$0x0] =	wrdreg $0x60  }
0xae: {  	[dreg:$0x2] =	wrdreg s2  }
0xaf: {  	[dreg:$0x3] =	wrdreg s24  }
0xb0: {  	[dreg:$0x4] =	wrdreg $0x10E000  }
0xb1: {  	[dreg:$0x5] =	wrdreg $0x1AC000  }
0xb2: {  	[dreg:$0x6] =	wrdreg $0x9  }
0xb3: {  	_ =	task.clear_ibuf [dreg:s7], $0x7FFFF;
	_ =	strace $0x90000046  }
0xb4: {  	s29 =	simm.s32 $0x9;
	_ =	strace $0x80000048  }
0xb5: {  	_ =	swait.ge [sflag:s29], $0x1  }
0xb6: {  	[sflag:s29] =	ssyncadd.s32 $0xFFFFFFFF  }
0xb7: {  	_ =	strace $0x90000048  }
0xb8: {  	_ =	sfence  }
0xb9: {  	s30 =	sld [smem:$0x0];
	_ =	sdelay $0x2  }
0xba: {  	s31 =	sshll.u32 s1, $0xD;
	s1 =	sshrl.u32 s1, $0x2  }
0xbb: {  	s3 =	sand.u32 $0x4000, s31;
	s1 =	sadd.s32 s1, s30  }
0xbc: {  	s0 =	sor.u32 s3, s0;
	s1 =	sshll.u32 s1, $0x11  }
0xbd: {  	s0 =	sor.u32 s1, s0  }
0xbe: {  	s0 =	sadd.s32 $0x8F2B, s0  }
0xbf: {  	[sflag:s0] =	ssyncadd.remote.s32 $0x1  }
0xc0: {  	_ =	sfence.sel $0xFFFF  }
0xc1: {  	[dreg:$0x0] =	wrdreg $0xFFFFFFFF;
	(pc) =	sbr.abs _section_cstart, $3  }
0xc2: {  	[dreg:$0x1] =	wrdreg $0xFFFFFFFF  }
0xc3: {  	_ =	task.clear_ibuf [dreg:s7], $0x2FFFF;
	_ =	strace $0x9FFFFFFF  }
0xc4: {  	(tm) =	ssettm $0x7FFFFFFF  }
0xc5: {  	_ =	shalt  }
tec
execute0_lowered:
.L_overlay_start_1:
0x0: {  	(tag) =	ssettag $0x1  }
0x1: {  	s0 =	rddreg [dreg:$0x0]  }
0x2: {  	s1 =	rddreg [dreg:$0x1];
	s13 =	stileid.u32  }
0x3: {  	s3 =	srdreg.scid;
	s5 =	smul.u32 $0x9E0, s13  }
0x4: {  	s2 =	rddreg [dreg:$0x2];
	s4 =	simm.s32 $0x0;
	s8 =	smul.u32 $0x9E00, s13  }
0x5: {  	s28 =	simm.s32 $0xFE00;
	s29 =	simm.s32 $0x3;
	s9 =	smul.u32 $0x2780, s13  }
0x6: {  	s30 =	simm.s32 $0x1;
	s6 =	sand.u32 $0x1, s3;
	s15 =	smul.u32 $0x278, s13  }
0x7: {  	s31 =	simm.s32 $0x2;
	[smem:$0x7FF] =	sst s4;
	s7 =	smul.u32 $0x9E000, s6  }
0x8: {  	s3 =	rddreg [dreg:$0x3];
	s10 =	smul.u32 $0x27800, s6;
	_ =	strace $0x80000047  }
0x9: {  	s14 =	ssub.s32 $0x2, s6;
	p0 =	seq.s32 s6, $0x0;
	s5 =	sadd.s32 s5, s1  }
0xa: {  	s16 =	sshrl.u32 s14, $0x1;
	s18 =	sadd.s32 $0x80, s15;
	s20 =	sadd.s32 $0x100, s15  }
0xb: {  	s22 =	sadd.s32 $0x180, s15;
	s25 =	sadd.s32 $0x200, s15;
	s7 =	sadd.s32 s8, s7  }
0xc: {  	s12 =	sadd.s32 s9, s10;
	s10 =	ssub.s32 s14, s16;
	s17 =	sadd.s32 $0xBC00, s5  }
0xd: {  	s5 =	sadd.s32 $0x1E00, s5;
	s8 =	sadd.s32 s8, s2;
	s9 =	sadd.s32 s9, s3  }
0xe: {  	s19 =	sshll.u32 s18, $0x6;
	s21 =	sshll.u32 s20, $0x6;
	s23 =	sshll.u32 s22, $0x6  }
0xf: {  	s24 =	sshll.u32 s22, $0x4;
	s26 =	sshll.u32 s25, $0x6;
	[dreg:$0x5] =	wrdreg s17  }
0x10: {  	s7 =	sshrl.u32 s7, $0x3;
	[dreg:$0x6] =	wrdreg s5;
	s5 =	sadd.s32 s19, s2  }
0x11: {  	s16 =	sadd.s32 s26, s2;
	s26 =	simm.s32 $0xDE00;
	s11 =	sadd.s32 s7, s1  }
0x12: {  	s7 =	sshrl.u32 s12, $0x3;
	s12 =	smul.u32 $0x13880, s6;
	[dreg:$0x7] =	wrdreg s5  }
0x13: {  	s5 =	sadd.s32 s21, s2;
	s21 =	simm.s32 $0x4;
	s1 =	sadd.s32 s7, s1  }
0x14: {  	[dreg:$0x9] =	wrdreg s5;
	s7 =	sadd.s32 s0, s12;
	s0 =	sshll.u32 s18, $0x4  }
0x15: {  	s5 =	sshll.u32 s25, $0x4;
	s25 =	simm.s32 $0xBE00;
	s0 =	sadd.s32 s0, s3  }
0x16: {  	s17 =	sadd.s32 s5, s3;
	[dreg:$0x8] =	wrdreg s0;
	s0 =	sshll.u32 s20, $0x4  }
0x17: {  	s18 =	sadd.s32 $0x15A00, s11;
	s19 =	sadd.s32 $0x3D200, s1;
	s0 =	sadd.s32 s0, s3  }
0x18: {  	s20 =	smax.u32 s10, $0x1;
	[dreg:$0xa] =	wrdreg s0;
	s0 =	sadd.s32 s23, s2  }
0x19: {  	s23 =	simm.s32 $0x80;
	[dreg:$0xb] =	wrdreg s0;
	s0 =	sadd.s32 s24, s3  }
0x1a: {  	v0 =	vimm.f32 $0.0e+00;
	v1 =	vimm.f32 $1.000000000e+00;
	s24 =	simm.s32 $0x9E00;
	[dreg:$0xc] =	wrdreg s0;
	s0 =	simm.s32 $0x0  }
.LBB2_1:
0x1b: {  	s1 =	rddreg [dreg:$0x5]  }
0x1c: {  	[tilespmem:s4], [sflag:$0x4] =	stream.linear.gather [hbm4b:s1+s4], $0x4F00, $0x38;
	[tilespmem:$0x1D380] =	vst v63  }
0x1d: {  	_ =	swait.ge [sflag:s21], $0x4F00  }
0x1e: {  	[sflag:s21] =	ssyncset.done $0x0  }
0x1f: {  	s5 =	simm.s32 $0x4F00;
	s22 =	rddreg [dreg:$0x6];
	[sflag:s21] =	ssyncadd.s32 $0xFFFFB100  }
0x20: {  	[tilespmem:s5], [sflag:$0x4] =	stream.linear.gather [hbm4b:s22+s4], $0x4F00, $0x38;
	[tilespmem:$0x1D380] =	vst v63  }
0x21: {  	_ =	swait.ge [sflag:s21], $0x4F00  }
0x22: {  	[sflag:s21] =	ssyncset.done $0x0  }
0x23: {  	[sflag:s21] =	ssyncadd.s32 $0xFFFFB100  }
0x24: {  	[tilespmem:s24], [sflag:$0x1] =	stream.indirect.gather [hbm4b:s7+s23], $0x40, s4, s23, $0xb8;
	[tilespmem:$0x1D380] =	vst v63  }
0x25: {  	s1 =	simm.s32 $0xDE20  }
0x26: {  	[tilespmem:s25], [sflag:$0x2] =	stream.indirect.gather [hbm4b:s7+s23], $0x40, s23, s23, $0xb8;
	[tilespmem:$0x1D380] =	vst v63  }
0x27: {  	[tilespmem:s1+$0xFFFFFFE0] =	vst v0  }
0x28: {  	[tilespmem:s1+$0x10] =	vst v0  }
0x29: {  	[tilespmem:s1+$0x0] =	vst v0  }
0x2a: {  	s6 =	simm.s32 $0x0;
	s5 =	simm.s32 $0x40;
	[tilespmem:s1+$0xFFFFFFF0] =	vst v0  }
.LBB2_2:
0x2b: {  	p1 =	sne.s32 s5, $0x1FC0  }
0x2c: {  	[tilespmem:s6+$0xFE00] =	vst v0;
	s1 =	sadd.s32 $0x40, s1;
	s10 =	smov.u32 s5;
	s5 =	sadd.s32 $0x40, s5  }
.Ltmp0:
0x2d: {  	[tilespmem:s6+$0x10600] =	vst v1;
	(pc) =	sbr.rel @p1 .LBB2_2-.Ltmp0, $4  }
0x2e: {  	[tilespmem:s1+$0xFFFFFFE0] =	vst v0  }
0x2f: {  	[tilespmem:s1+$0x10] =	vst v0  }
0x30: {  	[tilespmem:s1+$0x0] =	vst v0  }
0x31: {  	s6 =	sshra.s32 s10, $0x2;
	[tilespmem:s1+$0xFFFFFFF0] =	vst v0  }
0x32: {  	[tilespmem:s6+$0xFE00] =	vst v0  }
0x33: {  	[tilespmem:s6+$0x10600] =	vst v1  }
0x34: {  	[spmem:s8] =	stream.linear.scatter [tilespmem:s26], [sflag:$0x3], $0x2000, $0x38;
	[tilespmem:$0x1D380] =	vst v63  }
0x35: {  	_ = 	snop  }
0x36: {  	[spmem:s9] =	stream.linear.scatter [tilespmem:s28], [sflag:$0x3], $0x800, $0x38;
	[tilespmem:$0x1D380] =	vst v63  }
0x37: {  	s1 =	rddreg [dreg:$0x7]  }
0x38: {  	[spmem:s1] =	stream.linear.scatter [tilespmem:s26], [sflag:$0x3], $0x2000, $0x38;
	[tilespmem:$0x1D380] =	vst v63  }
0x39: {  	s10 =	rddreg [dreg:$0x8]  }
0x3a: {  	[spmem:s10] =	stream.linear.scatter [tilespmem:s28], [sflag:$0x3], $0x800, $0x38;
	[tilespmem:$0x1D380] =	vst v63  }
0x3b: {  	s11 =	rddreg [dreg:$0x9]  }
0x3c: {  	[spmem:s11] =	stream.linear.scatter [tilespmem:s26], [sflag:$0x3], $0x2000, $0x38;
	[tilespmem:$0x1D380] =	vst v63  }
0x3d: {  	s12 =	rddreg [dreg:$0xa]  }
0x3e: {  	[spmem:s12] =	stream.linear.scatter [tilespmem:s28], [sflag:$0x3], $0x800, $0x38;
	[tilespmem:$0x1D380] =	vst v63  }
0x3f: {  	s13 =	rddreg [dreg:$0xb]  }
0x40: {  	[spmem:s13] =	stream.linear.scatter [tilespmem:s26], [sflag:$0x3], $0x2000, $0x38;
	[tilespmem:$0x1D380] =	vst v63  }
0x41: {  	s14 =	rddreg [dreg:$0xc]  }
0x42: {  	[spmem:s14] =	stream.linear.scatter [tilespmem:s28], [sflag:$0x3], $0x800, $0x38;
	[tilespmem:$0x1D380] =	vst v63  }
0x43: {  	_ = 	snop  }
0x44: {  	[spmem:s16] =	stream.linear.scatter [tilespmem:s26], [sflag:$0x3], $0x1E00, $0x38;
	[tilespmem:$0x1D380] =	vst v63  }
0x45: {  	_ = 	snop  }
0x46: {  	[spmem:s17] =	stream.linear.scatter [tilespmem:s28], [sflag:$0x3], $0x780, $0x38;
	[tilespmem:$0x1D380] =	vst v63  }
0x47: {  	_ =	swait.ge [sflag:s29], $0x2000  }
0x48: {  	[sflag:s29] =	ssyncset.done $0x0  }
0x49: {  	[sflag:s29] =	ssyncadd.s32 $0xFFFFE000  }
0x4a: {  	_ =	swait.ge [sflag:s29], $0x800  }
0x4b: {  	[sflag:s29] =	ssyncset.done $0x0  }
0x4c: {  	[sflag:s29] =	ssyncadd.s32 $0xFFFFF800  }
0x4d: {  	_ =	swait.ge [sflag:s29], $0x2000  }
0x4e: {  	[sflag:s29] =	ssyncset.done $0x0  }
0x4f: {  	[sflag:s29] =	ssyncadd.s32 $0xFFFFE000  }
0x50: {  	_ =	swait.ge [sflag:s29], $0x800  }
0x51: {  	[sflag:s29] =	ssyncset.done $0x0  }
0x52: {  	[sflag:s29] =	ssyncadd.s32 $0xFFFFF800  }
0x53: {  	_ =	swait.ge [sflag:s29], $0x2000  }
0x54: {  	[sflag:s29] =	ssyncset.done $0x0  }
0x55: {  	[sflag:s29] =	ssyncadd.s32 $0xFFFFE000  }
0x56: {  	_ =	swait.ge [sflag:s29], $0x800  }
0x57: {  	[sflag:s29] =	ssyncset.done $0x0  }
0x58: {  	[sflag:s29] =	ssyncadd.s32 $0xFFFFF800  }
0x59: {  	_ =	swait.ge [sflag:s29], $0x2000  }
0x5a: {  	[sflag:s29] =	ssyncset.done $0x0  }
0x5b: {  	[sflag:s29] =	ssyncadd.s32 $0xFFFFE000  }
0x5c: {  	_ =	swait.ge [sflag:s29], $0x800  }
0x5d: {  	[sflag:s29] =	ssyncset.done $0x0  }
0x5e: {  	[sflag:s29] =	ssyncadd.s32 $0xFFFFF800  }
0x5f: {  	_ =	swait.ge [sflag:s29], $0x1E00  }
0x60: {  	[sflag:s29] =	ssyncset.done $0x0  }
0x61: {  	[sflag:s29] =	ssyncadd.s32 $0xFFFFE200  }
0x62: {  	_ =	swait.ge [sflag:s29], $0x780  }
0x63: {  	[sflag:s29] =	ssyncset.done $0x0  }
0x64: {  	[sflag:s29] =	ssyncadd.s32 $0xFFFFF880  }
0x65: {  	[bflag:$0x0] =	sbarrier.arrive $0xFFFF  }
0x66: {  	p1 =	por $0x0, $0x0;
	s5 =	simm.s32 $0x1;
	_ =	swait.ge [sflag:s30], $0x2000  }
0x67: {  	s22 =	simm.s32 $0x1;
	s5 =	simm.s32 @!p1 $0x0;
	[sflag:s30] =	ssyncset.done $0x0  }
0x68: {  	s22 =	simm.s32 @!p0 $0x0;
	s1 =	simm.s32 $0x4F00;
	[sflag:s30] =	ssyncadd.s32 $0xFFFFE000  }
0x69: {  	[spmem:s2] =	stream.indirect.scatter.add.f32 [tilespmem:s24], [sflag:$0x4], $0x40, s1, s23, $0xb8;
	[tilespmem:$0x1D380] =	vst v63  }
0x6a: {  	p1 =	seq.s32 s22, s5;
	_ =	swait.ge [sflag:s21], $0x2000  }
0x6b: {  	s5 =	simm.s32 @!p1 $0x80;
	[sflag:s21] =	ssyncset.done $0x0  }
0x6c: {  	s6 =	simm.s32 @!p1 $0x10600;
	s10 =	simm.s32 @!p1 $0x4;
	[sflag:s21] =	ssyncadd.s32 $0xFFFFE000  }
0x6d: {  	[spmem:s3] =	stream.indirect.scatter.add.f32 @!p1 [tilespmem:s6], [sflag:$0x4], $0x10, s1, s5, $0xb8;
	[tilespmem:$0x1D380] =	vst v63  }
0x6e: {  	_ =	swait.ge @!p1 [sflag:s10], $0x800  }
0x6f: {  	[sflag:s10] =	ssyncset.done @!p1 $0x0  }
0x70: {  	s15 =	simm.s32 $0x100;
	[sflag:s10] =	ssyncadd.s32 @!p1 $0xFFFFF800  }
0x71: {  	[tilespmem:s24], [sflag:$0x1] =	stream.indirect.gather [hbm4b:s7+s23], $0x40, s15, s23, $0xb8;
	[tilespmem:$0x1D380] =	vst v63  }
0x72: {  	_ =	swait.ge [sflag:s31], $0x2000  }
0x73: {  	p2 =	por $0x1, $0x1;
	[sflag:s31] =	ssyncset.done $0x0  }
0x74: {  	s5 =	simm.s32 $0x4F80;
	p1 =	por $0x0, $0x0;
	[sflag:s31] =	ssyncadd.s32 $0xFFFFE000  }
0x75: {  	[spmem:s2] =	stream.indirect.scatter.add.f32 [tilespmem:s25], [sflag:$0x4], $0x40, s5, s23, $0xb8;
	[tilespmem:$0x1D380] =	vst v63  }
0x76: {  	p2 =	por @!p0 p1, p1;
	_ =	swait.ge [sflag:s21], $0x2000  }
0x77: {  	s11 =	simm.s32 $0x5000;
	s6 =	simm.s32 @p2 $0x80;
	[sflag:s21] =	ssyncset.done $0x0  }
0x78: {  	s10 =	simm.s32 @p2 $0x10600;
	s12 =	simm.s32 @p2 $0x4;
	[sflag:s21] =	ssyncadd.s32 $0xFFFFE000  }
0x79: {  	[spmem:s3] =	stream.indirect.scatter.add.f32 @p2 [tilespmem:s10], [sflag:$0x4], $0x10, s5, s6, $0xb8;
	[tilespmem:$0x1D380] =	vst v63  }
0x7a: {  	s1 =	simm.s32 $0x0;
	s6 =	simm.s32 $0x180;
	_ =	swait.ge @p2 [sflag:s12], $0x800  }
0x7b: {  	s5 =	simm.s32 $0x3;
	s10 =	simm.s32 $0x280;
	[sflag:s12] =	ssyncset.done @p2 $0x0  }
.LBB2_4:
0x7c: {  	[sflag:s12] =	ssyncadd.s32 @p2 $0xFFFFF800  }
0x7d: {  	s1 =	sadd.s32 $0x1, s1;
	s12 =	smov.u32 s5;
	s5 =	sadd.s32 $0x2, s5  }
0x7e: {  	[tilespmem:s25], [sflag:$0x2] =	stream.indirect.gather [hbm4b:s7+s23], $0x40, s6, s23, $0xb8;
	[tilespmem:$0x1D380] =	vst v63  }
0x7f: {  	p1 =	sne.s32 s5, $0x9D;
	s6 =	smov.u32 s10;
	_ =	swait.ge [sflag:s30], $0x2000  }
0x80: {  	s13 =	simm.s32 $0x1;
	p2 =	sgt.u32 s1, $0x27;
	[sflag:s30] =	ssyncset.done $0x0  }
0x81: {  	s13 =	simm.s32 @!p2 $0x0;
	[sflag:s30] =	ssyncadd.s32 $0xFFFFE000  }
0x82: {  	[spmem:s2] =	stream.indirect.scatter.add.f32 [tilespmem:s24], [sflag:$0x4], $0x40, s11, s23, $0xb8;
	[tilespmem:$0x1D380] =	vst v63  }
0x83: {  	p2 =	seq.s32 s22, s13;
	_ =	swait.ge [sflag:s21], $0x2000  }
0x84: {  	s13 =	simm.s32 @!p2 $0x80;
	s14 =	simm.s32 @!p2 $0x10600;
	[sflag:s21] =	ssyncset.done $0x0  }
0x85: {  	s15 =	simm.s32 @!p2 $0x4;
	[sflag:s21] =	ssyncadd.s32 $0xFFFFE000  }
0x86: {  	[spmem:s3] =	stream.indirect.scatter.add.f32 @!p2 [tilespmem:s14], [sflag:$0x4], $0x10, s11, s13, $0xb8;
	[tilespmem:$0x1D380] =	vst v63  }
0x87: {  	_ =	swait.ge @!p2 [sflag:s15], $0x800  }
0x88: {  	s13 =	sadd.s32 $0xFFFFFF80, s10;
	[sflag:s15] =	ssyncset.done @!p2 $0x0  }
0x89: {  	[sflag:s15] =	ssyncadd.s32 @!p2 $0xFFFFF800  }
0x8a: {  	[tilespmem:s24], [sflag:$0x1] =	stream.indirect.gather [hbm4b:s7+s23], $0x40, s13, s23, $0xb8;
	[tilespmem:$0x1D380] =	vst v63  }
0x8b: {  	_ =	swait.ge [sflag:s31], $0x2000  }
0x8c: {  	s13 =	sadd.s32 $0x80, s11;
	[sflag:s31] =	ssyncset.done $0x0  }
0x8d: {  	p3 =	sgt.u32 s1, $0x26;
	p2 =	slt.u32 s12, $0x4F;
	[sflag:s31] =	ssyncadd.s32 $0xFFFFE000  }
0x8e: {  	[spmem:s2] =	stream.indirect.scatter.add.f32 [tilespmem:s25], [sflag:$0x4], $0x40, s13, s23, $0xb8;
	[tilespmem:$0x1D380] =	vst v63  }
0x8f: {  	p2 =	por @!p0 p3, p3;
	_ =	swait.ge [sflag:s21], $0x2000  }
.Ltmp1:
0x90: {  	s14 =	simm.s32 @p2 $0x80;
	[sflag:s21] =	ssyncset.done $0x0;
	(pc) =	sbr.rel @p1 .LBB2_4-.Ltmp1, $4  }
0x91: {  	s15 =	simm.s32 @p2 $0x10600;
	s12 =	simm.s32 @p2 $0x4;
	[sflag:s21] =	ssyncadd.s32 $0xFFFFE000  }
0x92: {  	[spmem:s3] =	stream.indirect.scatter.add.f32 @p2 [tilespmem:s15], [sflag:$0x4], $0x10, s13, s14, $0xb8;
	[tilespmem:$0x1D380] =	vst v63  }
0x93: {  	_ =	swait.ge @p2 [sflag:s12], $0x800  }
0x94: {  	s10 =	sadd.s32 $0x100, s10;
	s11 =	sadd.s32 $0x100, s11;
	[sflag:s12] =	ssyncset.done @p2 $0x0  }
0x95: {  	[sflag:s12] =	ssyncadd.s32 @p2 $0xFFFFF800  }
0x96: {  	[tilespmem:s25], [sflag:$0x2] =	stream.indirect.gather [hbm4b:s7+s23], $0x40, s6, s23, $0xb8;
	[tilespmem:$0x1D380] =	vst v63  }
0x97: {  	_ =	swait.ge [sflag:s30], $0x2000  }
0x98: {  	[sflag:s30] =	ssyncset.done $0x0  }
0x99: {  	s1 =	simm.s32 $0x9D00;
	[sflag:s30] =	ssyncadd.s32 $0xFFFFE000  }
0x9a: {  	[spmem:s2] =	stream.indirect.scatter.add.f32 [tilespmem:s24], [sflag:$0x4], $0x40, s1, s23, $0xb8;
	[tilespmem:$0x1D380] =	vst v63  }
0x9b: {  	_ =	swait.ge [sflag:s21], $0x2000  }
0x9c: {  	[sflag:s21] =	ssyncset.done $0x0  }
0x9d: {  	s1 =	simm.s32 @p0 $0x2;
	[sflag:s21] =	ssyncadd.s32 $0xFFFFE000  }
0x9e: {  	_ =	swait.ge @p0 [sflag:s1], $0x2000  }
0x9f: {  	s5 =	simm.s32 @p0 $0x9D80;
	[sflag:s1] =	ssyncset.done @p0 $0x0  }
0xa0: {  	s6 =	simm.s32 @p0 $0xBE00;
	[sflag:s1] =	ssyncadd.s32 @p0 $0xFFFFE000;
	s1 =	simm.s32 @p0 $0x80  }
0xa1: {  	[spmem:s2] =	stream.indirect.scatter.add.f32 @p0 [tilespmem:s6], [sflag:$0x4], $0x40, s5, s1, $0xb8;
	[tilespmem:$0x1D380] =	vst v63  }
0xa2: {  	s1 =	simm.s32 @p0 $0x4  }
0xa3: {  	_ =	swait.ge @p0 [sflag:s1], $0x2000  }
0xa4: {  	s5 =	simm.s32 @!p0 $0x9D00;
	[sflag:s1] =	ssyncset.done @p0 $0x0  }
0xa5: {  	s6 =	simm.s32 @!p0 $0x10600;
	[sflag:s1] =	ssyncadd.s32 @p0 $0xFFFFE000;
	s1 =	simm.s32 @!p0 $0x80  }
0xa6: {  	[spmem:s3] =	stream.indirect.scatter.add.f32 @!p0 [tilespmem:s6], [sflag:$0x4], $0x10, s5, s1, $0xb8;
	[tilespmem:$0x1D380] =	vst v63  }
0xa7: {  	s5 =	simm.s32 @!p0 $0x4  }
0xa8: {  	_ =	swait.ge @!p0 [sflag:s5], $0x800  }
0xa9: {  	[sflag:s5] =	ssyncset.done @!p0 $0x0  }
0xaa: {  	s10 =	simm.s32 @!p0 $0x2;
	[sflag:s5] =	ssyncadd.s32 @!p0 $0xFFFFF800  }
0xab: {  	_ =	swait.ge @!p0 [sflag:s10], $0x2000  }
0xac: {  	[sflag:s10] =	ssyncset.done @!p0 $0x0  }
0xad: {  	s11 =	simm.s32 @!p0 $0xBE00;
	[sflag:s10] =	ssyncadd.s32 @!p0 $0xFFFFE000;
	s10 =	simm.s32 @!p0 $0x9D80  }
0xae: {  	[spmem:s2] =	stream.indirect.scatter.add.f32 @!p0 [tilespmem:s11], [sflag:$0x4], $0x40, s10, s1, $0xb8;
	[tilespmem:$0x1D380] =	vst v63  }
0xaf: {  	_ =	swait.ge @!p0 [sflag:s5], $0x2000  }
0xb0: {  	[sflag:s5] =	ssyncset.done @!p0 $0x0  }
0xb1: {  	[sflag:s5] =	ssyncadd.s32 @!p0 $0xFFFFE000  }
0xb2: {  	[spmem:s3] =	stream.indirect.scatter.add.f32 @!p0 [tilespmem:s6], [sflag:$0x4], $0x10, s10, s1, $0xb8;
	[tilespmem:$0x1D380] =	vst v63  }
0xb3: {  	_ =	swait.ge @!p0 [sflag:s5], $0x800  }
0xb4: {  	s14 =	stileid.u32;
	s15 =	sshrl.u32 s8, $0x3;
	[sflag:s5] =	ssyncset.done @!p0 $0x0  }
0xb5: {  	s22 =	sshrl.u32 s9, $0x3;
	s1 =	sshll.u32 s14, $0x6;
	[sflag:s5] =	ssyncadd.s32 @!p0 $0xFFFFF800  }
0xb6: {  	s0 =	sadd.s32 $0x1, s0;
	s1 =	sor.u32 $0x1C03, s1;
	[bflag:$0x0] =	sbarrier.arrive $0xFFFF  }
0xb7: {  	[hbm:s18], [sflag:s1] =	dma.local [spmem:s15], $0x13C0  }
0xb8: {  	[hbm:s19], [sflag:s1] =	dma.local [spmem:s22], $0x4F0  }
0xb9: {  	p1 =	sne.s32 s0, s20;
	_ =	swait.ge [sflag:s29], $0x13C0  }
.Ltmp2:
0xba: {  	[sflag:s29] =	ssyncset.done $0x0;
	(pc) =	sbr.rel @p1 .LBB2_1-.Ltmp2, $4  }
0xbb: {  	[sflag:s29] =	ssyncadd.s32 $0xFFFFEC40  }
0xbc: {  	_ =	swait.ge [sflag:s29], $0x4F0  }
0xbd: {  	[sflag:s29] =	ssyncset.done $0x0  }
0xbe: {  	[sflag:s29] =	ssyncadd.s32 $0xFFFFFB10  }
0xbf: {  	_ =	sfence.sel $0x180000  }
0xc0: {  	[bflag:$0x0] =	sbarrier.arrive $0xFFFF  }
0xc1: {  	_ =	strace $0x90000047  }
0xc2: {  	s0 =	stileid.u32;
	[bflag:$0x2] =	sbarrier.arrive $0xFFFF  }
0xc3: {  	p0 =	sne.s32 s0, $0x0;
	s0 =	rddreg [dreg:$0x4]  }
0xc4: {  	s0 =	sadd.s32 @!p0 $0x100000, s0  }
0xc5: {  	[sflag:s0] =	ssyncadd.tile.s32 @!p0 $0x1;
	_ =	shalt  }
.Lfunc_end2:
_tile_overlayer_lowered:
.L_overlay_start_2:
0xc6: {  	(tag) =	ssettag $0x2  }
0xc7: {  	s0 =	rddreg [dreg:$0x0];
	s2 =	stileid.u32  }
0xc8: {  	s1 =	rddreg [dreg:$0x1];
	p0 =	sne.s32 s2, $0x0  }
0xc9: {  	s3 =	rddreg [dreg:$0x2];
	[bflag:$0x3] =	sbarrier.arrive $0xFFFF;
	s2 =	simm.s32 @!p0 $0x1C04  }
0xca: {  	[timem:s3], [sflag:s2] =	dma.local @!p0 [hbm:s0], s1  }
0xcb: {  	s0 =	simm.s32 @!p0 $0x4  }
0xcc: {  	_ =	swait.ge @!p0 [sflag:s0], s1  }
0xcd: {  	s1 =	ssub.s32 @!p0 $0x0, s1;
	[sflag:s0] =	ssyncset.done @!p0 $0x0  }
0xce: {  	[sflag:s0] =	ssyncadd.s32 @!p0 s1  }
0xcf: {  	[bflag:$0x3] =	sbarrier.arrive $0xFFFF  }
0xd0: {  	_ =	shalt  }

// kernel: kernel.9.cloned.1.call-start
scs
__scs_entry_jumppad:
0x0: {  	(pc) =	sbr.rel $0x88, $3  }
0x1: {  	(tag) =	ssettag $0x0;
	lr =	simm.s32 $0x1  }
0x2: {  	[smem:$0x3F98] =	sst lr;
	_ =	strace $0xD0000000  }
0x3: {  	_ = 	snop  }
0x4: {  	_ = 	snop  }
0x5: {  	_ = 	snop  }
0x6: {  	_ = 	snop  }
0x7: {  	_ = 	snop  }
__scs_overlays_trampoline_lowered:
0x8: {  	[smem:$0x3FA7] =	sst s0  }
0x9: {  	[smem:$0x3FA8] =	sst s1  }
0xa: {  	[smem:$0x3FA9] =	sst s2  }
0xb: {  	[smem:$0x3FAA] =	sst s3  }
0xc: {  	[smem:$0x3FAB] =	sst s4  }
0xd: {  	[smem:$0x3FAC] =	sst s5  }
0xe: {  	[smem:$0x3FAD] =	sst s6  }
0xf: {  	[smem:$0x3FAE] =	sst s7  }
0x10: {  	[smem:$0x3FAF] =	sst s8  }
0x11: {  	[smem:$0x3FB0] =	sst s9;
	s0 =	simm.s32 @!p0 $0x0  }
0x12: {  	s1 =	sld [smem:$0x3F96];
	s0 =	simm.s32 @p0 $0x1  }
0x13: {  	[smem:$0x3FB1] =	sst s0;
	s0 =	simm.s32 @!p1 $0x0  }
0x14: {  	s2 =	sld [smem:$0x3F95];
	s0 =	simm.s32 @p1 $0x1  }
0x15: {  	[smem:$0x3FB2] =	sst s0;
	s0 =	simm.s32 @!p2 $0x0  }
0x16: {  	s3 =	sld [smem:$0x3FDB];
	s0 =	simm.s32 @p2 $0x1  }
0x17: {  	s4 =	simm.s32 $0x1BF5;
	[smem:$0x3FB4] =	sst s0  }
0x18: {  	s0 =	sld [smem:$0x3F97];
	_ =	swait.ge [sflag:s4], $0x0  }
0x19: {  	s7 =	sld [smem:$0x3F98]  }
0x1a: {  	s8 =	sadd.s32 $0xFFFFE003, lr  }
0x1b: {  	s9 =	sadd.s32 $0xFFFFFEF7, lr;
	s5 =	simm.s32 $0xFFFFFFFF;
	p2 =	slt.u32 s8, $0xFFFFF086  }
0x1c: {  	p1 =	slt.u32 s9, $0xF7A;
	s5 =	simm.s32 @!p2 $0x0  }
0x1d: {  	s5 =	simm.s32 @p1 $0x1;
	p0 =	seq.s32 s7, s2  }
0x1e: {  	s7 =	smul.u32 @!p0 $0xF7A, s2;
	p2 =	seq.s32 @!p0 s5, $0x0  }
0x1f: {  	s9 =	smul.u32 $0xF7A, s1;
	s8 =	simm.s32 @!p0 $0x1BF5;
	p2 =	por !p2, p0  }
0x20: {  	[sflag:s8] =	ssyncset.s32 @!p0 $0xFFFFF086;
	s6 =	sadd.s32 @!p0 s3, s7;
	s7 =	simm.s32 @!p0 $0x108  }
0x21: {  	s3 =	sadd.s32 s3, s9;
	s6 =	sadd.s32 @!p0 $0x88, s6;
	s7 =	simm.s32 @p2 $0x1082  }
0x22: {  	[simem:s7], [sflag:s8] =	dma.local @!p0 [hbm:s6], $0xF7A  }
0x23: {  	s9 =	sor.u32 $0xD0000000, s2;
	s6 =	simm.s32 $0x108;
	_ =	swait.ge @!p0 [sflag:s8], $0x0  }
0x24: {  	s3 =	sadd.s32 $0x88, s3;
	s6 =	simm.s32 @!p1 $0x1082;
	[sflag:s4] =	ssyncset.s32 $0xFFFFF086  }
0x25: {  	[simem:s6], [sflag:s4] =	dma.local [hbm:s3], $0xF7A  }
0x26: {  	[smem:$0x3F98] =	sst s1;
	(tag) =	ssettag s2;
	_ =	strace s9  }
0x27: {  	s1 =	sld [smem:$0x3FA8]  }
0x28: {  	s2 =	sld [smem:$0x3FA9]  }
0x29: {  	s4 =	sld [smem:$0x3FAB]  }
0x2a: {  	p0 =	seq.s32 s5, $0x0;
	s5 =	sld [smem:$0x3FAC]  }
0x2b: {  	s6 =	sld [smem:$0x3FAD]  }
0x2c: {  	s7 =	sld [smem:$0x3FAE]  }
0x2d: {  	s3 =	simm.s32 $0x108;
	s8 =	sld [smem:$0x3FAF]  }
0x2e: {  	s3 =	simm.s32 @!p0 $0x1082;
	s9 =	sld [smem:$0x3FB0]  }
0x2f: {  	lr =	sadd.s32 s0, s3;
	s0 =	sld [smem:$0x3FA7]  }
0x30: {  	s3 =	sld [smem:$0x3FAA]  }
0x31: {  	[smem:$0x3FB3] =	sst s10  }
0x32: {  	s10 =	sld [smem:$0x3FB1];
	_ =	sdelay $0x3  }
0x33: {  	p0 =	seq.s32 s10, $0x1;
	s10 =	sld [smem:$0x3FB3];
	_ =	sdelay $0x3  }
0x34: {  	[smem:$0x3FB3] =	sst s10  }
0x35: {  	s10 =	sld [smem:$0x3FB2];
	_ =	sdelay $0x3  }
0x36: {  	p1 =	seq.s32 s10, $0x1;
	s10 =	sld [smem:$0x3FB3];
	_ =	sdelay $0x3  }
0x37: {  	[smem:$0x3FB3] =	sst s10  }
0x38: {  	s10 =	sld [smem:$0x3FB4]  }
0x39: {  	_ = 	snop;
	(pc) =	sbr.ind lr, $3  }
0x3a: {  	_ = 	snop  }
0x3b: {  	_ = 	snop  }
0x3c: {  	p2 =	seq.s32 s10, $0x1;
	s10 =	sld [smem:$0x3FB3]  }
0x3d: {  	_ =	shalt  }
0x3e: {  	_ =	shalt  }
0x3f: {  	_ =	shalt  }
0x40: {  	_ =	shalt  }
0x41: {  	_ =	shalt  }
0x42: {  	_ =	shalt  }
0x43: {  	_ =	shalt  }
0x44: {  	_ =	shalt  }
0x45: {  	_ =	shalt  }
0x46: {  	_ =	shalt  }
0x47: {  	_ =	shalt  }
0x48: {  	_ =	shalt  }
0x49: {  	_ =	shalt  }
0x4a: {  	_ =	shalt  }
0x4b: {  	_ =	shalt  }
0x4c: {  	_ =	shalt  }
0x4d: {  	_ =	shalt  }
0x4e: {  	_ =	shalt  }
0x4f: {  	_ =	shalt  }
0x50: {  	_ =	shalt  }
0x51: {  	_ =	shalt  }
0x52: {  	_ =	shalt  }
0x53: {  	_ =	shalt  }
0x54: {  	_ =	shalt  }
0x55: {  	_ =	shalt  }
0x56: {  	_ =	shalt  }
0x57: {  	_ =	shalt  }
0x58: {  	_ =	shalt  }
0x59: {  	_ =	shalt  }
0x5a: {  	_ =	shalt  }
0x5b: {  	_ =	shalt  }
0x5c: {  	_ =	shalt  }
0x5d: {  	_ =	shalt  }
0x5e: {  	_ =	shalt  }
0x5f: {  	_ =	shalt  }
0x60: {  	_ =	shalt  }
0x61: {  	_ =	shalt  }
0x62: {  	_ =	shalt  }
0x63: {  	_ =	shalt  }
0x64: {  	_ =	shalt  }
0x65: {  	_ =	shalt  }
0x66: {  	_ =	shalt  }
0x67: {  	_ =	shalt  }
0x68: {  	_ =	shalt  }
0x69: {  	_ =	shalt  }
0x6a: {  	_ =	shalt  }
0x6b: {  	_ =	shalt  }
0x6c: {  	_ =	shalt  }
0x6d: {  	_ =	shalt  }
0x6e: {  	_ =	shalt  }
0x6f: {  	_ =	shalt  }
0x70: {  	_ =	shalt  }
0x71: {  	_ =	shalt  }
0x72: {  	_ =	shalt  }
0x73: {  	_ =	shalt  }
0x74: {  	_ =	shalt  }
0x75: {  	_ =	shalt  }
0x76: {  	_ =	shalt  }
0x77: {  	_ =	shalt  }
0x78: {  	_ =	shalt  }
0x79: {  	_ =	shalt  }
0x7a: {  	_ =	shalt  }
0x7b: {  	_ =	shalt  }
0x7c: {  	_ =	shalt  }
0x7d: {  	_ =	shalt  }
0x7e: {  	_ =	shalt  }
0x7f: {  	_ =	shalt  }
0x80: {  	_ =	shalt  }
0x81: {  	_ =	shalt  }
0x82: {  	_ =	shalt  }
0x83: {  	_ =	shalt  }
0x84: {  	_ =	shalt  }
0x85: {  	_ =	shalt  }
0x86: {  	_ =	shalt  }
0x87: {  	_ =	shalt  }
.Lfunc_end0:
.L_simem_size_0:
called_computation.1_lowered:
.L_overlay_start_0:
0x88: {  	s2 =	sld [smem:$0x3FD9]  }
0x89: {  	s3 =	sld [smem:$0x3FFE];
	_ =	sdelay $0x1  }
0x8a: {  	s1 =	srdreg.scid  }
0x8b: {  	s0 =	sand.u32 $0x1, s1  }
0x8c: {  	s17 =	sshll.u32 s0, $0xA;
	s2 =	sadd.s32 s3, s2  }
0x8d: {  	s2 =	sadd.s32 s2, s17  }
0x8e: {  	[smem:$0x3FBF] =	sst s2  }
0x8f: {  	_ = 	snop  }
0x90: {  	s2 =	sld [smem:$0x3FD0];
	(tm) =	ssettm $0x1  }
0x91: {  	s18 =	sld [smem:$0x3FFB];
	_ =	sdelay $0x3  }
0x92: {  	_ =	strace s18  }
0x93: {  	s3 =	sld [smem:$0x3FFC];
	_ =	sdelay $0x3  }
0x94: {  	_ =	strace s3  }
0x95: {  	s3 =	sld [smem:$0x3FFD];
	_ =	sdelay $0x3  }
0x96: {  	_ =	strace s3  }
0x97: {  	_ =	strace $0x8FFFFFFF  }
0x98: {  	s19 =	sld [smem:$0x3FDB];
	_ =	sdelay $0x1  }
0x99: {  	s4 =	simm.s32 $_scs_section_size  }
0x9a: {  	s5 =	simm.s32 $_size__tile_overlayer_lowered;
	s6 =	simm.s32 $_tile_overlayer_lowered  }
0x9b: {  	s22 =	simm.s32 $0x1BFF;
	s21 =	sshll.u32 s6, $0x1;
	s3 =	sadd.s32 s4, s19  }
0x9c: {  	s7 =	simm.s32 $0x0;
	s20 =	sshll.u32 s5, $0x1;
	s5 =	sadd.s32 s21, s3  }
0x9d: {  	[timem:s7], [sflag:s22] =	dma.local [hbm:s5], s20  }
0x9e: {  	_ =	swait.ge [sflag:s22], s20  }
0x9f: {  	s4 =	ssub.s32 $0x0, s20;
	[sflag:s22] =	ssyncset.done $0x0  }
0xa0: {  	[sflag:s22] =	ssyncadd.s32 s4;
	_ =	sdelay $0x1  }
0xa1: {  	s23 =	simm.s32 $0x1B8B  }
0xa2: {  	_ =	swait.ge [sflag:s23], $0x1  }
0xa3: {  	[sflag:s23] =	ssyncset.done $0x0  }
0xa4: {  	s25 =	simm.s32 $0x1B8E;
	s24 =	sld [smem:$0x3FFE];
	[sflag:s23] =	ssyncadd.s32 $0xFFFFFFFF  }
0xa5: {  	s26 =	simm.s32 $execute0_lowered;
	[smem:$0x3FD2] =	sst s25  }
0xa6: {  	s5 =	sshll.u32 s26, $0x1;
	_ =	strace $0x80000049;
	[dreg:$0x1] =	wrdreg $0xFFFFFFFF  }
0xa7: {  	s28 =	simm.s32 $_size_execute0_lowered;
	s3 =	sadd.s32 s3, s5;
	[dreg:$0x0] =	wrdreg $0x0  }
0xa8: {  	s5 =	sshll.u32 s28, $0x1;
	[dreg:$0x2] =	wrdreg s3  }
0xa9: {  	[dreg:$0x3] =	wrdreg s5  }
0xaa: {  	[dreg:$0x4] =	wrdreg $0xC0  }
0xab: {  	_ =	task [dreg:s7], $0x5FFFF  }
0xac: {  	[dreg:$0x1] =	wrdreg $0xFFFFFFFF  }
0xad: {  	[dreg:$0x0] =	wrdreg $0x60  }
0xae: {  	[dreg:$0x2] =	wrdreg s2  }
0xaf: {  	[dreg:$0x3] =	wrdreg s24  }
0xb0: {  	[dreg:$0x4] =	wrdreg $0x10E000  }
0xb1: {  	[dreg:$0x5] =	wrdreg $0x1AC000  }
0xb2: {  	[dreg:$0x6] =	wrdreg $0x9  }
0xb3: {  	_ =	task.clear_ibuf [dreg:s7], $0x7FFFF;
	_ =	strace $0x90000049  }
0xb4: {  	s29 =	simm.s32 $0x9;
	_ =	strace $0x8000004B  }
0xb5: {  	_ =	swait.ge [sflag:s29], $0x1  }
0xb6: {  	[sflag:s29] =	ssyncadd.s32 $0xFFFFFFFF  }
0xb7: {  	_ =	strace $0x9000004B  }
0xb8: {  	_ =	sfence  }
0xb9: {  	s30 =	sld [smem:$0x0];
	_ =	sdelay $0x2  }
0xba: {  	s31 =	sshll.u32 s1, $0xD;
	s1 =	sshrl.u32 s1, $0x2  }
0xbb: {  	s3 =	sand.u32 $0x4000, s31;
	s1 =	sadd.s32 s1, s30  }
0xbc: {  	s0 =	sor.u32 s3, s0;
	s1 =	sshll.u32 s1, $0x11  }
0xbd: {  	s0 =	sor.u32 s1, s0  }
0xbe: {  	s0 =	sadd.s32 $0x8F2B, s0  }
0xbf: {  	[sflag:s0] =	ssyncadd.remote.s32 $0x1  }
0xc0: {  	_ =	sfence.sel $0xFFFF  }
0xc1: {  	[dreg:$0x0] =	wrdreg $0xFFFFFFFF;
	(pc) =	sbr.abs _section_cstart, $3  }
0xc2: {  	[dreg:$0x1] =	wrdreg $0xFFFFFFFF  }
0xc3: {  	_ =	task.clear_ibuf [dreg:s7], $0x2FFFF;
	_ =	strace $0x9FFFFFFF  }
0xc4: {  	(tm) =	ssettm $0x7FFFFFFF  }
0xc5: {  	_ =	shalt  }
tec
execute0_lowered:
.L_overlay_start_1:
0x0: {  	(tag) =	ssettag $0x1  }
0x1: {  	s0 =	rddreg [dreg:$0x0]  }
0x2: {  	s1 =	rddreg [dreg:$0x1];
	s13 =	stileid.u32  }
0x3: {  	s3 =	srdreg.scid;
	s5 =	smul.u32 $0x9E0, s13  }
0x4: {  	s2 =	rddreg [dreg:$0x2];
	s4 =	simm.s32 $0x0;
	s8 =	smul.u32 $0x9E00, s13  }
0x5: {  	s28 =	simm.s32 $0xFE00;
	s29 =	simm.s32 $0x3;
	s9 =	smul.u32 $0x2780, s13  }
0x6: {  	s30 =	simm.s32 $0x1;
	s6 =	sand.u32 $0x1, s3;
	s15 =	smul.u32 $0x278, s13  }
0x7: {  	s31 =	simm.s32 $0x2;
	[smem:$0x7FF] =	sst s4;
	s7 =	smul.u32 $0x9E000, s6  }
0x8: {  	s3 =	rddreg [dreg:$0x3];
	s10 =	smul.u32 $0x27800, s6;
	_ =	strace $0x8000004A  }
0x9: {  	s14 =	ssub.s32 $0x2, s6;
	p0 =	seq.s32 s6, $0x0;
	s5 =	sadd.s32 s5, s1  }
0xa: {  	s16 =	sshrl.u32 s14, $0x1;
	s18 =	sadd.s32 $0x80, s15;
	s20 =	sadd.s32 $0x100, s15  }
0xb: {  	s22 =	sadd.s32 $0x180, s15;
	s25 =	sadd.s32 $0x200, s15;
	s7 =	sadd.s32 s8, s7  }
0xc: {  	s12 =	sadd.s32 s9, s10;
	s10 =	ssub.s32 s14, s16;
	s17 =	sadd.s32 $0x50E00, s5  }
0xd: {  	s5 =	sadd.s32 $0x47000, s5;
	s8 =	sadd.s32 s8, s2;
	s9 =	sadd.s32 s9, s3  }
0xe: {  	s19 =	sshll.u32 s18, $0x6;
	s21 =	sshll.u32 s20, $0x6;
	s23 =	sshll.u32 s22, $0x6  }
0xf: {  	s24 =	sshll.u32 s22, $0x4;
	s26 =	sshll.u32 s25, $0x6;
	[dreg:$0x5] =	wrdreg s17  }
0x10: {  	s7 =	sshrl.u32 s7, $0x3;
	[dreg:$0x6] =	wrdreg s5;
	s5 =	sadd.s32 s19, s2  }
0x11: {  	s16 =	sadd.s32 s26, s2;
	s26 =	simm.s32 $0xDE00;
	s11 =	sadd.s32 s7, s1  }
0x12: {  	s7 =	sshrl.u32 s12, $0x3;
	s12 =	smul.u32 $0x13880, s6;
	[dreg:$0x7] =	wrdreg s5  }
0x13: {  	s5 =	sadd.s32 s21, s2;
	s21 =	simm.s32 $0x4;
	s1 =	sadd.s32 s7, s1  }
0x14: {  	[dreg:$0x9] =	wrdreg s5;
	s7 =	sadd.s32 s0, s12;
	s0 =	sshll.u32 s18, $0x4  }
0x15: {  	s5 =	sshll.u32 s25, $0x4;
	s25 =	simm.s32 $0xBE00;
	s0 =	sadd.s32 s0, s3  }
0x16: {  	s17 =	sadd.s32 s5, s3;
	[dreg:$0x8] =	wrdreg s0;
	s0 =	sshll.u32 s20, $0x4  }
0x17: {  	s18 =	sadd.s32 $0xBC00, s11;
	s19 =	sadd.s32 $0x1E00, s1;
	s0 =	sadd.s32 s0, s3  }
0x18: {  	s20 =	smax.u32 s10, $0x1;
	[dreg:$0xa] =	wrdreg s0;
	s0 =	sadd.s32 s23, s2  }
0x19: {  	s23 =	simm.s32 $0x80;
	[dreg:$0xb] =	wrdreg s0;
	s0 =	sadd.s32 s24, s3  }
0x1a: {  	v0 =	vimm.f32 $0.0e+00;
	v1 =	vimm.f32 $1.000000000e+00;
	s24 =	simm.s32 $0x9E00;
	[dreg:$0xc] =	wrdreg s0;
	s0 =	simm.s32 $0x0  }
.LBB2_1:
0x1b: {  	s1 =	rddreg [dreg:$0x5]  }
0x1c: {  	[tilespmem:s4], [sflag:$0x4] =	stream.linear.gather [hbm4b:s1+s4], $0x4F00, $0x38;
	[tilespmem:$0x1D380] =	vst v63  }
0x1d: {  	_ =	swait.ge [sflag:s21], $0x4F00  }
0x1e: {  	[sflag:s21] =	ssyncset.done $0x0  }
0x1f: {  	s5 =	simm.s32 $0x4F00;
	s22 =	rddreg [dreg:$0x6];
	[sflag:s21] =	ssyncadd.s32 $0xFFFFB100  }
0x20: {  	[tilespmem:s5], [sflag:$0x4] =	stream.linear.gather [hbm4b:s22+s4], $0x4F00, $0x38;
	[tilespmem:$0x1D380] =	vst v63  }
0x21: {  	_ =	swait.ge [sflag:s21], $0x4F00  }
0x22: {  	[sflag:s21] =	ssyncset.done $0x0  }
0x23: {  	[sflag:s21] =	ssyncadd.s32 $0xFFFFB100  }
0x24: {  	[tilespmem:s24], [sflag:$0x1] =	stream.indirect.gather [hbm4b:s7+s23], $0x40, s4, s23, $0xb8;
	[tilespmem:$0x1D380] =	vst v63  }
0x25: {  	s1 =	simm.s32 $0xDE20  }
0x26: {  	[tilespmem:s25], [sflag:$0x2] =	stream.indirect.gather [hbm4b:s7+s23], $0x40, s23, s23, $0xb8;
	[tilespmem:$0x1D380] =	vst v63  }
0x27: {  	[tilespmem:s1+$0xFFFFFFE0] =	vst v0  }
0x28: {  	[tilespmem:s1+$0x10] =	vst v0  }
0x29: {  	[tilespmem:s1+$0x0] =	vst v0  }
0x2a: {  	s6 =	simm.s32 $0x0;
	s5 =	simm.s32 $0x40;
	[tilespmem:s1+$0xFFFFFFF0] =	vst v0  }
.LBB2_2:
0x2b: {  	p1 =	sne.s32 s5, $0x1FC0  }
0x2c: {  	[tilespmem:s6+$0xFE00] =	vst v0;
	s1 =	sadd.s32 $0x40, s1;
	s10 =	smov.u32 s5;
	s5 =	sadd.s32 $0x40, s5  }
.Ltmp0:
0x2d: {  	[tilespmem:s6+$0x10600] =	vst v1;
	(pc) =	sbr.rel @p1 .LBB2_2-.Ltmp0, $4  }
0x2e: {  	[tilespmem:s1+$0xFFFFFFE0] =	vst v0  }
0x2f: {  	[tilespmem:s1+$0x10] =	vst v0  }
0x30: {  	[tilespmem:s1+$0x0] =	vst v0  }
0x31: {  	s6 =	sshra.s32 s10, $0x2;
	[tilespmem:s1+$0xFFFFFFF0] =	vst v0  }
0x32: {  	[tilespmem:s6+$0xFE00] =	vst v0  }
0x33: {  	[tilespmem:s6+$0x10600] =	vst v1  }
0x34: {  	[spmem:s8] =	stream.linear.scatter [tilespmem:s26], [sflag:$0x3], $0x2000, $0x38;
	[tilespmem:$0x1D380] =	vst v63  }
0x35: {  	_ = 	snop  }
0x36: {  	[spmem:s9] =	stream.linear.scatter [tilespmem:s28], [sflag:$0x3], $0x800, $0x38;
	[tilespmem:$0x1D380] =	vst v63  }
0x37: {  	s1 =	rddreg [dreg:$0x7]  }
0x38: {  	[spmem:s1] =	stream.linear.scatter [tilespmem:s26], [sflag:$0x3], $0x2000, $0x38;
	[tilespmem:$0x1D380] =	vst v63  }
0x39: {  	s10 =	rddreg [dreg:$0x8]  }
0x3a: {  	[spmem:s10] =	stream.linear.scatter [tilespmem:s28], [sflag:$0x3], $0x800, $0x38;
	[tilespmem:$0x1D380] =	vst v63  }
0x3b: {  	s11 =	rddreg [dreg:$0x9]  }
0x3c: {  	[spmem:s11] =	stream.linear.scatter [tilespmem:s26], [sflag:$0x3], $0x2000, $0x38;
	[tilespmem:$0x1D380] =	vst v63  }
0x3d: {  	s12 =	rddreg [dreg:$0xa]  }
0x3e: {  	[spmem:s12] =	stream.linear.scatter [tilespmem:s28], [sflag:$0x3], $0x800, $0x38;
	[tilespmem:$0x1D380] =	vst v63  }
0x3f: {  	s13 =	rddreg [dreg:$0xb]  }
0x40: {  	[spmem:s13] =	stream.linear.scatter [tilespmem:s26], [sflag:$0x3], $0x2000, $0x38;
	[tilespmem:$0x1D380] =	vst v63  }
0x41: {  	s14 =	rddreg [dreg:$0xc]  }
0x42: {  	[spmem:s14] =	stream.linear.scatter [tilespmem:s28], [sflag:$0x3], $0x800, $0x38;
	[tilespmem:$0x1D380] =	vst v63  }
0x43: {  	_ = 	snop  }
0x44: {  	[spmem:s16] =	stream.linear.scatter [tilespmem:s26], [sflag:$0x3], $0x1E00, $0x38;
	[tilespmem:$0x1D380] =	vst v63  }
0x45: {  	_ = 	snop  }
0x46: {  	[spmem:s17] =	stream.linear.scatter [tilespmem:s28], [sflag:$0x3], $0x780, $0x38;
	[tilespmem:$0x1D380] =	vst v63  }
0x47: {  	_ =	swait.ge [sflag:s29], $0x2000  }
0x48: {  	[sflag:s29] =	ssyncset.done $0x0  }
0x49: {  	[sflag:s29] =	ssyncadd.s32 $0xFFFFE000  }
0x4a: {  	_ =	swait.ge [sflag:s29], $0x800  }
0x4b: {  	[sflag:s29] =	ssyncset.done $0x0  }
0x4c: {  	[sflag:s29] =	ssyncadd.s32 $0xFFFFF800  }
0x4d: {  	_ =	swait.ge [sflag:s29], $0x2000  }
0x4e: {  	[sflag:s29] =	ssyncset.done $0x0  }
0x4f: {  	[sflag:s29] =	ssyncadd.s32 $0xFFFFE000  }
0x50: {  	_ =	swait.ge [sflag:s29], $0x800  }
0x51: {  	[sflag:s29] =	ssyncset.done $0x0  }
0x52: {  	[sflag:s29] =	ssyncadd.s32 $0xFFFFF800  }
0x53: {  	_ =	swait.ge [sflag:s29], $0x2000  }
0x54: {  	[sflag:s29] =	ssyncset.done $0x0  }
0x55: {  	[sflag:s29] =	ssyncadd.s32 $0xFFFFE000  }
0x56: {  	_ =	swait.ge [sflag:s29], $0x800  }
0x57: {  	[sflag:s29] =	ssyncset.done $0x0  }
0x58: {  	[sflag:s29] =	ssyncadd.s32 $0xFFFFF800  }
0x59: {  	_ =	swait.ge [sflag:s29], $0x2000  }
0x5a: {  	[sflag:s29] =	ssyncset.done $0x0  }
0x5b: {  	[sflag:s29] =	ssyncadd.s32 $0xFFFFE000  }
0x5c: {  	_ =	swait.ge [sflag:s29], $0x800  }
0x5d: {  	[sflag:s29] =	ssyncset.done $0x0  }
0x5e: {  	[sflag:s29] =	ssyncadd.s32 $0xFFFFF800  }
0x5f: {  	_ =	swait.ge [sflag:s29], $0x1E00  }
0x60: {  	[sflag:s29] =	ssyncset.done $0x0  }
0x61: {  	[sflag:s29] =	ssyncadd.s32 $0xFFFFE200  }
0x62: {  	_ =	swait.ge [sflag:s29], $0x780  }
0x63: {  	[sflag:s29] =	ssyncset.done $0x0  }
0x64: {  	[sflag:s29] =	ssyncadd.s32 $0xFFFFF880  }
0x65: {  	[bflag:$0x0] =	sbarrier.arrive $0xFFFF  }
0x66: {  	p1 =	por $0x0, $0x0;
	s5 =	simm.s32 $0x1;
	_ =	swait.ge [sflag:s30], $0x2000  }
0x67: {  	s22 =	simm.s32 $0x1;
	s5 =	simm.s32 @!p1 $0x0;
	[sflag:s30] =	ssyncset.done $0x0  }
0x68: {  	s22 =	simm.s32 @!p0 $0x0;
	s1 =	simm.s32 $0x4F00;
	[sflag:s30] =	ssyncadd.s32 $0xFFFFE000  }
0x69: {  	[spmem:s2] =	stream.indirect.scatter.add.f32 [tilespmem:s24], [sflag:$0x4], $0x40, s1, s23, $0xb8;
	[tilespmem:$0x1D380] =	vst v63  }
0x6a: {  	p1 =	seq.s32 s22, s5;
	_ =	swait.ge [sflag:s21], $0x2000  }
0x6b: {  	s5 =	simm.s32 @!p1 $0x80;
	[sflag:s21] =	ssyncset.done $0x0  }
0x6c: {  	s6 =	simm.s32 @!p1 $0x10600;
	s10 =	simm.s32 @!p1 $0x4;
	[sflag:s21] =	ssyncadd.s32 $0xFFFFE000  }
0x6d: {  	[spmem:s3] =	stream.indirect.scatter.add.f32 @!p1 [tilespmem:s6], [sflag:$0x4], $0x10, s1, s5, $0xb8;
	[tilespmem:$0x1D380] =	vst v63  }
0x6e: {  	_ =	swait.ge @!p1 [sflag:s10], $0x800  }
0x6f: {  	[sflag:s10] =	ssyncset.done @!p1 $0x0  }
0x70: {  	s15 =	simm.s32 $0x100;
	[sflag:s10] =	ssyncadd.s32 @!p1 $0xFFFFF800  }
0x71: {  	[tilespmem:s24], [sflag:$0x1] =	stream.indirect.gather [hbm4b:s7+s23], $0x40, s15, s23, $0xb8;
	[tilespmem:$0x1D380] =	vst v63  }
0x72: {  	_ =	swait.ge [sflag:s31], $0x2000  }
0x73: {  	p2 =	por $0x1, $0x1;
	[sflag:s31] =	ssyncset.done $0x0  }
0x74: {  	s5 =	simm.s32 $0x4F80;
	p1 =	por $0x0, $0x0;
	[sflag:s31] =	ssyncadd.s32 $0xFFFFE000  }
0x75: {  	[spmem:s2] =	stream.indirect.scatter.add.f32 [tilespmem:s25], [sflag:$0x4], $0x40, s5, s23, $0xb8;
	[tilespmem:$0x1D380] =	vst v63  }
0x76: {  	p2 =	por @!p0 p1, p1;
	_ =	swait.ge [sflag:s21], $0x2000  }
0x77: {  	s11 =	simm.s32 $0x5000;
	s6 =	simm.s32 @p2 $0x80;
	[sflag:s21] =	ssyncset.done $0x0  }
0x78: {  	s10 =	simm.s32 @p2 $0x10600;
	s12 =	simm.s32 @p2 $0x4;
	[sflag:s21] =	ssyncadd.s32 $0xFFFFE000  }
0x79: {  	[spmem:s3] =	stream.indirect.scatter.add.f32 @p2 [tilespmem:s10], [sflag:$0x4], $0x10, s5, s6, $0xb8;
	[tilespmem:$0x1D380] =	vst v63  }
0x7a: {  	s1 =	simm.s32 $0x0;
	s6 =	simm.s32 $0x180;
	_ =	swait.ge @p2 [sflag:s12], $0x800  }
0x7b: {  	s5 =	simm.s32 $0x3;
	s10 =	simm.s32 $0x280;
	[sflag:s12] =	ssyncset.done @p2 $0x0  }
.LBB2_4:
0x7c: {  	[sflag:s12] =	ssyncadd.s32 @p2 $0xFFFFF800  }
0x7d: {  	s1 =	sadd.s32 $0x1, s1;
	s12 =	smov.u32 s5;
	s5 =	sadd.s32 $0x2, s5  }
0x7e: {  	[tilespmem:s25], [sflag:$0x2] =	stream.indirect.gather [hbm4b:s7+s23], $0x40, s6, s23, $0xb8;
	[tilespmem:$0x1D380] =	vst v63  }
0x7f: {  	p1 =	sne.s32 s5, $0x9D;
	s6 =	smov.u32 s10;
	_ =	swait.ge [sflag:s30], $0x2000  }
0x80: {  	s13 =	simm.s32 $0x1;
	p2 =	sgt.u32 s1, $0x27;
	[sflag:s30] =	ssyncset.done $0x0  }
0x81: {  	s13 =	simm.s32 @!p2 $0x0;
	[sflag:s30] =	ssyncadd.s32 $0xFFFFE000  }
0x82: {  	[spmem:s2] =	stream.indirect.scatter.add.f32 [tilespmem:s24], [sflag:$0x4], $0x40, s11, s23, $0xb8;
	[tilespmem:$0x1D380] =	vst v63  }
0x83: {  	p2 =	seq.s32 s22, s13;
	_ =	swait.ge [sflag:s21], $0x2000  }
0x84: {  	s13 =	simm.s32 @!p2 $0x80;
	s14 =	simm.s32 @!p2 $0x10600;
	[sflag:s21] =	ssyncset.done $0x0  }
0x85: {  	s15 =	simm.s32 @!p2 $0x4;
	[sflag:s21] =	ssyncadd.s32 $0xFFFFE000  }
0x86: {  	[spmem:s3] =	stream.indirect.scatter.add.f32 @!p2 [tilespmem:s14], [sflag:$0x4], $0x10, s11, s13, $0xb8;
	[tilespmem:$0x1D380] =	vst v63  }
0x87: {  	_ =	swait.ge @!p2 [sflag:s15], $0x800  }
0x88: {  	s13 =	sadd.s32 $0xFFFFFF80, s10;
	[sflag:s15] =	ssyncset.done @!p2 $0x0  }
0x89: {  	[sflag:s15] =	ssyncadd.s32 @!p2 $0xFFFFF800  }
0x8a: {  	[tilespmem:s24], [sflag:$0x1] =	stream.indirect.gather [hbm4b:s7+s23], $0x40, s13, s23, $0xb8;
	[tilespmem:$0x1D380] =	vst v63  }
0x8b: {  	_ =	swait.ge [sflag:s31], $0x2000  }
0x8c: {  	s13 =	sadd.s32 $0x80, s11;
	[sflag:s31] =	ssyncset.done $0x0  }
0x8d: {  	p3 =	sgt.u32 s1, $0x26;
	p2 =	slt.u32 s12, $0x4F;
	[sflag:s31] =	ssyncadd.s32 $0xFFFFE000  }
0x8e: {  	[spmem:s2] =	stream.indirect.scatter.add.f32 [tilespmem:s25], [sflag:$0x4], $0x40, s13, s23, $0xb8;
	[tilespmem:$0x1D380] =	vst v63  }
0x8f: {  	p2 =	por @!p0 p3, p3;
	_ =	swait.ge [sflag:s21], $0x2000  }
.Ltmp1:
0x90: {  	s14 =	simm.s32 @p2 $0x80;
	[sflag:s21] =	ssyncset.done $0x0;
	(pc) =	sbr.rel @p1 .LBB2_4-.Ltmp1, $4  }
0x91: {  	s15 =	simm.s32 @p2 $0x10600;
	s12 =	simm.s32 @p2 $0x4;
	[sflag:s21] =	ssyncadd.s32 $0xFFFFE000  }
0x92: {  	[spmem:s3] =	stream.indirect.scatter.add.f32 @p2 [tilespmem:s15], [sflag:$0x4], $0x10, s13, s14, $0xb8;
	[tilespmem:$0x1D380] =	vst v63  }
0x93: {  	_ =	swait.ge @p2 [sflag:s12], $0x800  }
0x94: {  	s10 =	sadd.s32 $0x100, s10;
	s11 =	sadd.s32 $0x100, s11;
	[sflag:s12] =	ssyncset.done @p2 $0x0  }
0x95: {  	[sflag:s12] =	ssyncadd.s32 @p2 $0xFFFFF800  }
0x96: {  	[tilespmem:s25], [sflag:$0x2] =	stream.indirect.gather [hbm4b:s7+s23], $0x40, s6, s23, $0xb8;
	[tilespmem:$0x1D380] =	vst v63  }
0x97: {  	_ =	swait.ge [sflag:s30], $0x2000  }
0x98: {  	[sflag:s30] =	ssyncset.done $0x0  }
0x99: {  	s1 =	simm.s32 $0x9D00;
	[sflag:s30] =	ssyncadd.s32 $0xFFFFE000  }
0x9a: {  	[spmem:s2] =	stream.indirect.scatter.add.f32 [tilespmem:s24], [sflag:$0x4], $0x40, s1, s23, $0xb8;
	[tilespmem:$0x1D380] =	vst v63  }
0x9b: {  	_ =	swait.ge [sflag:s21], $0x2000  }
0x9c: {  	[sflag:s21] =	ssyncset.done $0x0  }
0x9d: {  	s1 =	simm.s32 @p0 $0x2;
	[sflag:s21] =	ssyncadd.s32 $0xFFFFE000  }
0x9e: {  	_ =	swait.ge @p0 [sflag:s1], $0x2000  }
0x9f: {  	s5 =	simm.s32 @p0 $0x9D80;
	[sflag:s1] =	ssyncset.done @p0 $0x0  }
0xa0: {  	s6 =	simm.s32 @p0 $0xBE00;
	[sflag:s1] =	ssyncadd.s32 @p0 $0xFFFFE000;
	s1 =	simm.s32 @p0 $0x80  }
0xa1: {  	[spmem:s2] =	stream.indirect.scatter.add.f32 @p0 [tilespmem:s6], [sflag:$0x4], $0x40, s5, s1, $0xb8;
	[tilespmem:$0x1D380] =	vst v63  }
0xa2: {  	s1 =	simm.s32 @p0 $0x4  }
0xa3: {  	_ =	swait.ge @p0 [sflag:s1], $0x2000  }
0xa4: {  	s5 =	simm.s32 @!p0 $0x9D00;
	[sflag:s1] =	ssyncset.done @p0 $0x0  }
0xa5: {  	s6 =	simm.s32 @!p0 $0x10600;
	[sflag:s1] =	ssyncadd.s32 @p0 $0xFFFFE000;
	s1 =	simm.s32 @!p0 $0x80  }
0xa6: {  	[spmem:s3] =	stream.indirect.scatter.add.f32 @!p0 [tilespmem:s6], [sflag:$0x4], $0x10, s5, s1, $0xb8;
	[tilespmem:$0x1D380] =	vst v63  }
0xa7: {  	s5 =	simm.s32 @!p0 $0x4  }
0xa8: {  	_ =	swait.ge @!p0 [sflag:s5], $0x800  }
0xa9: {  	[sflag:s5] =	ssyncset.done @!p0 $0x0  }
0xaa: {  	s10 =	simm.s32 @!p0 $0x2;
	[sflag:s5] =	ssyncadd.s32 @!p0 $0xFFFFF800  }
0xab: {  	_ =	swait.ge @!p0 [sflag:s10], $0x2000  }
0xac: {  	[sflag:s10] =	ssyncset.done @!p0 $0x0  }
0xad: {  	s11 =	simm.s32 @!p0 $0xBE00;
	[sflag:s10] =	ssyncadd.s32 @!p0 $0xFFFFE000;
	s10 =	simm.s32 @!p0 $0x9D80  }
0xae: {  	[spmem:s2] =	stream.indirect.scatter.add.f32 @!p0 [tilespmem:s11], [sflag:$0x4], $0x40, s10, s1, $0xb8;
	[tilespmem:$0x1D380] =	vst v63  }
0xaf: {  	_ =	swait.ge @!p0 [sflag:s5], $0x2000  }
0xb0: {  	[sflag:s5] =	ssyncset.done @!p0 $0x0  }
0xb1: {  	[sflag:s5] =	ssyncadd.s32 @!p0 $0xFFFFE000  }
0xb2: {  	[spmem:s3] =	stream.indirect.scatter.add.f32 @!p0 [tilespmem:s6], [sflag:$0x4], $0x10, s10, s1, $0xb8;
	[tilespmem:$0x1D380] =	vst v63  }
0xb3: {  	_ =	swait.ge @!p0 [sflag:s5], $0x800  }
0xb4: {  	s14 =	stileid.u32;
	s15 =	sshrl.u32 s8, $0x3;
	[sflag:s5] =	ssyncset.done @!p0 $0x0  }
0xb5: {  	s22 =	sshrl.u32 s9, $0x3;
	s1 =	sshll.u32 s14, $0x6;
	[sflag:s5] =	ssyncadd.s32 @!p0 $0xFFFFF800  }
0xb6: {  	s0 =	sadd.s32 $0x1, s0;
	s1 =	sor.u32 $0x1C03, s1;
	[bflag:$0x0] =	sbarrier.arrive $0xFFFF  }
0xb7: {  	[hbm:s18], [sflag:s1] =	dma.local [spmem:s15], $0x13C0  }
0xb8: {  	[hbm:s19], [sflag:s1] =	dma.local [spmem:s22], $0x4F0  }
0xb9: {  	p1 =	sne.s32 s0, s20;
	_ =	swait.ge [sflag:s29], $0x13C0  }
.Ltmp2:
0xba: {  	[sflag:s29] =	ssyncset.done $0x0;
	(pc) =	sbr.rel @p1 .LBB2_1-.Ltmp2, $4  }
0xbb: {  	[sflag:s29] =	ssyncadd.s32 $0xFFFFEC40  }
0xbc: {  	_ =	swait.ge [sflag:s29], $0x4F0  }
0xbd: {  	[sflag:s29] =	ssyncset.done $0x0  }
0xbe: {  	[sflag:s29] =	ssyncadd.s32 $0xFFFFFB10  }
0xbf: {  	_ =	sfence.sel $0x180000  }
0xc0: {  	[bflag:$0x0] =	sbarrier.arrive $0xFFFF  }
0xc1: {  	_ =	strace $0x9000004A  }
0xc2: {  	s0 =	stileid.u32;
	[bflag:$0x2] =	sbarrier.arrive $0xFFFF  }
0xc3: {  	p0 =	sne.s32 s0, $0x0;
	s0 =	rddreg [dreg:$0x4]  }
0xc4: {  	s0 =	sadd.s32 @!p0 $0x100000, s0  }
0xc5: {  	[sflag:s0] =	ssyncadd.tile.s32 @!p0 $0x1;
	_ =	shalt  }
.Lfunc_end2:
_tile_overlayer_lowered:
.L_overlay_start_2:
0xc6: {  	(tag) =	ssettag $0x2  }
0xc7: {  	s0 =	rddreg [dreg:$0x0];
	s2 =	stileid.u32  }
0xc8: {  	s1 =	rddreg [dreg:$0x1];
	p0 =	sne.s32 s2, $0x0  }
0xc9: {  	s3 =	rddreg [dreg:$0x2];
	[bflag:$0x3] =	sbarrier.arrive $0xFFFF;
	s2 =	simm.s32 @!p0 $0x1C04  }
0xca: {  	[timem:s3], [sflag:s2] =	dma.local @!p0 [hbm:s0], s1  }
0xcb: {  	s0 =	simm.s32 @!p0 $0x4  }
0xcc: {  	_ =	swait.ge @!p0 [sflag:s0], s1  }
0xcd: {  	s1 =	ssub.s32 @!p0 $0x0, s1;
	[sflag:s0] =	ssyncset.done @!p0 $0x0  }
0xce: {  	[sflag:s0] =	ssyncadd.s32 @!p0 s1  }
0xcf: {  	[bflag:$0x3] =	sbarrier.arrive $0xFFFF  }
0xd0: {  	_ =	shalt  }

</sc_bundles>
